<compile_context>
chip_gen: v7x
topology: tpu7x:2x2x1
jax: 0.10.2.dev20260603
libtpu: 0.0.44.dev20260713+nightly
codegen_flags: <defaults>
</compile_context>

<pallas_src>
import functools

import numpy as np
import jax
import jax.numpy as jnp
from jax import lax
from jax.experimental import pallas as pl
from jax.experimental.pallas import tpu as pltpu
from jax.experimental.pallas import tpu_sc as plsc

MAX_SEQ = 4096
D_MODEL = 1024
BATCH = 4
SEQ = 4096

_INFO = plsc.get_sparse_core_info()
NC, NS, L = _INFO.num_cores, _INFO.num_subcores, _INFO.num_lanes
NW = NC * NS
POS_PER_W = SEQ // NW
CHUNK = 16
NCH = POS_PER_W // CHUNK
NUNIT = NCH * BATCH
NSLOT = 4


def _make_pe_np() -> np.ndarray:
    pos = np.arange(MAX_SEQ, dtype=np.float32)[:, None]
    i = np.arange(D_MODEL, dtype=np.float32)[None, :]
    angles = pos / np.power(10000.0, 2.0 * np.floor(i / 2.0) / D_MODEL)
    even = (np.arange(D_MODEL) % 2 == 0)[None, :]
    pe = np.where(even, np.sin(angles), np.cos(angles))
    return pe.astype(np.float32)


_PE_NP = _make_pe_np()

_mesh = plsc.VectorSubcoreMesh(core_axis_name="c", subcore_axis_name="s")


@functools.partial(
    pl.kernel,
    out_type=jax.ShapeDtypeStruct((BATCH * SEQ, D_MODEL), jnp.float32),
    mesh=_mesh,
    scratch_types=[
        pltpu.VMEM((BATCH, POS_PER_W), jnp.int32),
        pltpu.VMEM((2, CHUNK, D_MODEL), jnp.float32),
        pltpu.VMEM((NSLOT, CHUNK, D_MODEL), jnp.float32),
        pltpu.SemaphoreType.DMA((NSLOT,)),
        pltpu.SemaphoreType.DMA,
    ],
)
def _embed_sc(table_hbm, idx_hbm, pe_hbm, out_hbm, idx_v, pe_v, rows_v,
              sems, psem):
    wid = lax.axis_index("s") * NC + lax.axis_index("c")
    pos0 = wid * POS_PER_W

    for b in range(BATCH):
        pltpu.async_copy(
            idx_hbm.at[b, pl.ds(pos0, POS_PER_W)], idx_v.at[b], psem)

    def issue_gather(u):
        b = u & 3
        c = lax.shift_right_logical(u, 2)
        pltpu.async_copy(
            table_hbm.at[idx_v.at[b, pl.ds(c * CHUNK, CHUNK)]],
            rows_v.at[u & 3], sems.at[u & 3])

    def issue_pe(c):
        pltpu.async_copy(
            pe_hbm.at[pl.ds(pos0 + c * CHUNK, CHUNK)], pe_v.at[c & 1], psem)

    def wait_out(slot):
        pltpu.make_async_copy(
            rows_v.at[0], out_hbm.at[pl.ds(0, CHUNK)], sems.at[slot]).wait()

    def wait_gather(slot):
        pltpu.make_async_copy(
            table_hbm.at[idx_v.at[0, pl.ds(0, CHUNK)]], rows_v.at[0],
            sems.at[slot]).wait()

    def wait_pe():
        pltpu.make_async_copy(
            pe_hbm.at[pl.ds(0, CHUNK)], pe_v.at[0], psem).wait()

    for _ in range(BATCH):
        pltpu.make_async_copy(
            idx_hbm.at[0, pl.ds(0, POS_PER_W)], idx_v.at[0], psem).wait()
    issue_pe(0)
    issue_gather(0)
    issue_gather(1)

    def unit_body(u, _):
        slot = u & 3
        c = lax.shift_right_logical(u, 2)
        s2 = (u + 2) & 3

        @pl.when(u >= 2)
        def _():
            wait_out(s2)

        @pl.when(u + 2 < NUNIT)
        def _():
            issue_gather(u + 2)

        @pl.when(slot == 0)
        def _():
            wait_pe()

            @pl.when(c + 1 < NCH)
            def _():
                issue_pe(c + 1)

        wait_gather(slot)

        pec = c & 1

        @plsc.parallel_loop(0, CHUNK)
        def add_body(i):
            for j in range(D_MODEL // L):
                sl = pl.ds(j * L, L)
                plsc.addupdate(rows_v.at[slot, i, sl], pe_v[pec, i, sl])

        orow = slot * SEQ + pos0 + c * CHUNK
        pltpu.async_copy(
            rows_v.at[slot], out_hbm.at[pl.ds(orow, CHUNK)], sems.at[slot])
        return 0

    lax.fori_loop(0, NUNIT, unit_body, 0)
    wait_out(2)
    wait_out(3)


def kernel(x, token_table):
    pe = jnp.asarray(_PE_NP)
    out = _embed_sc(token_table, x.astype(jnp.int32), pe)
    return out.reshape(BATCH, SEQ, D_MODEL)

# --- scband reference (transcript-rebuilt; emitter-appended) ---
"""Pipeline reference for scband-embedding-block-47210280517695 (READ-ONLY COPY).

The authoritative reference and input builder live on the scoring server;
editing this copy changes nothing except your own understanding.
"""

import jax, jax.numpy as jnp
import numpy as np

MAX_SEQ = 4096
D_MODEL = 1024
VOCAB = 100000
BATCH = 4
SEQ = 4096


def _make_pe():
    pos = jnp.arange(MAX_SEQ, dtype=jnp.float32)[:, None]
    i = jnp.arange(D_MODEL, dtype=jnp.float32)[None, :]
    angles = pos / jnp.power(10000.0, 2.0 * jnp.floor(i / 2.0) / D_MODEL)
    even_mask = (jnp.arange(D_MODEL) % 2 == 0)[None, :]
    pe = jnp.where(even_mask, jnp.sin(angles), jnp.cos(angles))
    return pe.astype(jnp.float32)


def setup_inputs(seed: int = 0) -> dict:
    key = jax.random.key(seed)
    k1, k2 = jax.random.split(key)
    x = jax.random.randint(k1, (BATCH, SEQ), 0, VOCAB, dtype=jnp.int64 if jax.config.jax_enable_x64 else jnp.int32)
    token_table = jax.random.normal(k2, (VOCAB, D_MODEL), dtype=jnp.float32)
    return {"x": x, "token_table": token_table}


def reference(x, token_table):
    # TokenEmbeddings: gather rows from embedding table
    tok = jnp.take(token_table, x, axis=0)  # [B, T, d_model]
    T = tok.shape[1]
    # FixedPositionalEmbeddings: sinusoidal buffer (constant, not learned)
    pe = _make_pe()
    out = tok + pe[:T][None, :, :]
    # Dropout with p=0.0 is identity
    return out

if __name__ == "__main__":
    import jax
    _d = setup_inputs()
    print(jax.jit(kernel)(*tuple(_d.values())))

</pallas_src>

<mosaic_0001>
#map = affine_map<(d0, d1) -> (0, 0)>
module attributes {stable_mosaic.version = 14 : i64} {
  func.func @_embed_sc(%arg0: i32, %arg1: i32, %arg2: memref<100000x1024xf32, #tpu.memory_space<hbm>>, %arg3: memref<4x4096xi32, #tpu.memory_space<hbm>>, %arg4: memref<4096x1024xf32, #tpu.memory_space<hbm>>, %arg5: memref<16384x1024xf32, #tpu.memory_space<hbm>>, %arg6: memref<4x128xi32, #tpu.memory_space<vmem>>, %arg7: memref<2x16x1024xf32, #tpu.memory_space<vmem>>, %arg8: memref<4x16x1024xf32, #tpu.memory_space<vmem>>, %arg9: memref<4x!tpu.dma_semaphore, #tpu.memory_space<semaphore_mem>>, %arg10: memref<!tpu.dma_semaphore, #tpu.memory_space<semaphore_mem>>) attributes {dimension_semantics = [#tpu.dimension_semantics<core_parallel>, #tpu.dimension_semantics<subcore_parallel>], iteration_bounds = array<i64: 2, 16>, scalar_prefetch = 0 : i64, scratch_operands = 5 : i64, tpu.core_type = #tpu.core_type<sc_vector_subcore>, window_params = [{transform_indices = #map}, {transform_indices = #map}, {transform_indices = #map}, {transform_indices = #map}]} {
    %mul3A = arith.constant 2 : i32
    %mul3A_0 = arith.muli %arg1, %mul3A : i32
    %add3A = arith.addi %mul3A_0, %arg0 : i32
    %mul3A_1 = arith.constant 128 : i32
    %mul3A_2 = arith.muli %add3A, %mul3A_1 : i32
    %dma_start3A = arith.constant 0 : i32
    %dma_start3A_3 = arith.constant 0 : i32
    %dma_start3A_4 = arith.constant 0 : i32
    %dma_start3A_5 = tpu.memref_slice %arg6[%dma_start3A_3, %dma_start3A_4] : memref<4x128xi32, #tpu.memory_space<vmem>> -> memref<1x128xi32, #tpu.memory_space<vmem>>
    %dma_start3A_6 = tpu.memref_squeeze %dma_start3A_5 : memref<1x128xi32, #tpu.memory_space<vmem>> -> memref<128xi32, #tpu.memory_space<vmem>>
    %dma_start3A_7 = tpu.memref_slice %arg3[%dma_start3A, %mul3A_2] : memref<4x4096xi32, #tpu.memory_space<hbm>> -> memref<1x128xi32, #tpu.memory_space<hbm>>
    %dma_start3A_8 = tpu.memref_squeeze %dma_start3A_7 : memref<1x128xi32, #tpu.memory_space<hbm>> -> memref<128xi32, #tpu.memory_space<hbm>>
    %dma_start3A_9 = arith.constant 0 : i32
    %dma_start3A_10 = tpu.memref_slice %arg6[%dma_start3A_3, %dma_start3A_9] : memref<4x128xi32, #tpu.memory_space<vmem>> -> memref<1x128xi32, #tpu.memory_space<vmem>>
    %dma_start3A_11 = tpu.memref_squeeze %dma_start3A_10 : memref<1x128xi32, #tpu.memory_space<vmem>> -> memref<128xi32, #tpu.memory_space<vmem>>
    %dma_start3A_12 = tpu.memref_slice %arg3[%dma_start3A, %mul3A_2] : memref<4x4096xi32, #tpu.memory_space<hbm>> -> memref<1x128xi32, #tpu.memory_space<hbm>>
    %dma_start3A_13 = tpu.memref_squeeze %dma_start3A_12 : memref<1x128xi32, #tpu.memory_space<hbm>> -> memref<128xi32, #tpu.memory_space<hbm>>
    tpu.enqueue_dma source(%dma_start3A_13 : memref<128xi32, #tpu.memory_space<hbm>>) target(%dma_start3A_11 : memref<128xi32, #tpu.memory_space<vmem>>) target_semaphore(%arg10 : memref<!tpu.dma_semaphore, #tpu.memory_space<semaphore_mem>>)
    %dma_start3A_14 = arith.constant 1 : i32
    %dma_start3A_15 = arith.constant 1 : i32
    %dma_start3A_16 = arith.constant 0 : i32
    %dma_start3A_17 = tpu.memref_slice %arg6[%dma_start3A_15, %dma_start3A_16] : memref<4x128xi32, #tpu.memory_space<vmem>> -> memref<1x128xi32, #tpu.memory_space<vmem>>
    %dma_start3A_18 = tpu.memref_squeeze %dma_start3A_17 : memref<1x128xi32, #tpu.memory_space<vmem>> -> memref<128xi32, #tpu.memory_space<vmem>>
    %dma_start3A_19 = tpu.memref_slice %arg3[%dma_start3A_14, %mul3A_2] : memref<4x4096xi32, #tpu.memory_space<hbm>> -> memref<1x128xi32, #tpu.memory_space<hbm>>
    %dma_start3A_20 = tpu.memref_squeeze %dma_start3A_19 : memref<1x128xi32, #tpu.memory_space<hbm>> -> memref<128xi32, #tpu.memory_space<hbm>>
    %dma_start3A_21 = arith.constant 0 : i32
    %dma_start3A_22 = tpu.memref_slice %arg6[%dma_start3A_15, %dma_start3A_21] : memref<4x128xi32, #tpu.memory_space<vmem>> -> memref<1x128xi32, #tpu.memory_space<vmem>>
    %dma_start3A_23 = tpu.memref_squeeze %dma_start3A_22 : memref<1x128xi32, #tpu.memory_space<vmem>> -> memref<128xi32, #tpu.memory_space<vmem>>
    %dma_start3A_24 = tpu.memref_slice %arg3[%dma_start3A_14, %mul3A_2] : memref<4x4096xi32, #tpu.memory_space<hbm>> -> memref<1x128xi32, #tpu.memory_space<hbm>>
    %dma_start3A_25 = tpu.memref_squeeze %dma_start3A_24 : memref<1x128xi32, #tpu.memory_space<hbm>> -> memref<128xi32, #tpu.memory_space<hbm>>
    tpu.enqueue_dma source(%dma_start3A_25 : memref<128xi32, #tpu.memory_space<hbm>>) target(%dma_start3A_23 : memref<128xi32, #tpu.memory_space<vmem>>) target_semaphore(%arg10 : memref<!tpu.dma_semaphore, #tpu.memory_space<semaphore_mem>>)
    %dma_start3A_26 = arith.constant 2 : i32
    %dma_start3A_27 = arith.constant 2 : i32
    %dma_start3A_28 = arith.constant 0 : i32
    %dma_start3A_29 = tpu.memref_slice %arg6[%dma_start3A_27, %dma_start3A_28] : memref<4x128xi32, #tpu.memory_space<vmem>> -> memref<1x128xi32, #tpu.memory_space<vmem>>
    %dma_start3A_30 = tpu.memref_squeeze %dma_start3A_29 : memref<1x128xi32, #tpu.memory_space<vmem>> -> memref<128xi32, #tpu.memory_space<vmem>>
    %dma_start3A_31 = tpu.memref_slice %arg3[%dma_start3A_26, %mul3A_2] : memref<4x4096xi32, #tpu.memory_space<hbm>> -> memref<1x128xi32, #tpu.memory_space<hbm>>
    %dma_start3A_32 = tpu.memref_squeeze %dma_start3A_31 : memref<1x128xi32, #tpu.memory_space<hbm>> -> memref<128xi32, #tpu.memory_space<hbm>>
    %dma_start3A_33 = arith.constant 0 : i32
    %dma_start3A_34 = tpu.memref_slice %arg6[%dma_start3A_27, %dma_start3A_33] : memref<4x128xi32, #tpu.memory_space<vmem>> -> memref<1x128xi32, #tpu.memory_space<vmem>>
    %dma_start3A_35 = tpu.memref_squeeze %dma_start3A_34 : memref<1x128xi32, #tpu.memory_space<vmem>> -> memref<128xi32, #tpu.memory_space<vmem>>
    %dma_start3A_36 = tpu.memref_slice %arg3[%dma_start3A_26, %mul3A_2] : memref<4x4096xi32, #tpu.memory_space<hbm>> -> memref<1x128xi32, #tpu.memory_space<hbm>>
    %dma_start3A_37 = tpu.memref_squeeze %dma_start3A_36 : memref<1x128xi32, #tpu.memory_space<hbm>> -> memref<128xi32, #tpu.memory_space<hbm>>
    tpu.enqueue_dma source(%dma_start3A_37 : memref<128xi32, #tpu.memory_space<hbm>>) target(%dma_start3A_35 : memref<128xi32, #tpu.memory_space<vmem>>) target_semaphore(%arg10 : memref<!tpu.dma_semaphore, #tpu.memory_space<semaphore_mem>>)
    %dma_start3A_38 = arith.constant 3 : i32
    %dma_start3A_39 = arith.constant 3 : i32
    %dma_start3A_40 = arith.constant 0 : i32
    %dma_start3A_41 = tpu.memref_slice %arg6[%dma_start3A_39, %dma_start3A_40] : memref<4x128xi32, #tpu.memory_space<vmem>> -> memref<1x128xi32, #tpu.memory_space<vmem>>
    %dma_start3A_42 = tpu.memref_squeeze %dma_start3A_41 : memref<1x128xi32, #tpu.memory_space<vmem>> -> memref<128xi32, #tpu.memory_space<vmem>>
    %dma_start3A_43 = tpu.memref_slice %arg3[%dma_start3A_38, %mul3A_2] : memref<4x4096xi32, #tpu.memory_space<hbm>> -> memref<1x128xi32, #tpu.memory_space<hbm>>
    %dma_start3A_44 = tpu.memref_squeeze %dma_start3A_43 : memref<1x128xi32, #tpu.memory_space<hbm>> -> memref<128xi32, #tpu.memory_space<hbm>>
    %dma_start3A_45 = arith.constant 0 : i32
    %dma_start3A_46 = tpu.memref_slice %arg6[%dma_start3A_39, %dma_start3A_45] : memref<4x128xi32, #tpu.memory_space<vmem>> -> memref<1x128xi32, #tpu.memory_space<vmem>>
    %dma_start3A_47 = tpu.memref_squeeze %dma_start3A_46 : memref<1x128xi32, #tpu.memory_space<vmem>> -> memref<128xi32, #tpu.memory_space<vmem>>
    %dma_start3A_48 = tpu.memref_slice %arg3[%dma_start3A_38, %mul3A_2] : memref<4x4096xi32, #tpu.memory_space<hbm>> -> memref<1x128xi32, #tpu.memory_space<hbm>>
    %dma_start3A_49 = tpu.memref_squeeze %dma_start3A_48 : memref<1x128xi32, #tpu.memory_space<hbm>> -> memref<128xi32, #tpu.memory_space<hbm>>
    tpu.enqueue_dma source(%dma_start3A_49 : memref<128xi32, #tpu.memory_space<hbm>>) target(%dma_start3A_47 : memref<128xi32, #tpu.memory_space<vmem>>) target_semaphore(%arg10 : memref<!tpu.dma_semaphore, #tpu.memory_space<semaphore_mem>>)
    %dma_wait3A = arith.constant 0 : i32
    %dma_wait3A_50 = arith.constant 0 : i32
    %dma_wait3A_51 = arith.constant 0 : i32
    %dma_wait3A_52 = tpu.memref_slice %arg6[%dma_wait3A_50, %dma_wait3A_51] : memref<4x128xi32, #tpu.memory_space<vmem>> -> memref<1x128xi32, #tpu.memory_space<vmem>>
    %dma_wait3A_53 = tpu.memref_squeeze %dma_wait3A_52 : memref<1x128xi32, #tpu.memory_space<vmem>> -> memref<128xi32, #tpu.memory_space<vmem>>
    %dma_wait3A_54 = arith.constant 0 : i32
    %dma_wait3A_55 = tpu.memref_slice %arg3[%dma_wait3A, %dma_wait3A_54] : memref<4x4096xi32, #tpu.memory_space<hbm>> -> memref<1x128xi32, #tpu.memory_space<hbm>>
    %dma_wait3A_56 = tpu.memref_squeeze %dma_wait3A_55 : memref<1x128xi32, #tpu.memory_space<hbm>> -> memref<128xi32, #tpu.memory_space<hbm>>
    %dma_wait3A_57 = arith.constant 0 : i32
    %dma_wait3A_58 = tpu.memref_slice %arg6[%dma_wait3A_50, %dma_wait3A_57] : memref<4x128xi32, #tpu.memory_space<vmem>> -> memref<1x128xi32, #tpu.memory_space<vmem>>
    %dma_wait3A_59 = tpu.memref_squeeze %dma_wait3A_58 : memref<1x128xi32, #tpu.memory_space<vmem>> -> memref<128xi32, #tpu.memory_space<vmem>>
    %dma_wait3A_60 = arith.constant 0 : i32
    %dma_wait3A_61 = tpu.memref_slice %arg3[%dma_wait3A, %dma_wait3A_60] : memref<4x4096xi32, #tpu.memory_space<hbm>> -> memref<1x128xi32, #tpu.memory_space<hbm>>
    %dma_wait3A_62 = tpu.memref_squeeze %dma_wait3A_61 : memref<1x128xi32, #tpu.memory_space<hbm>> -> memref<128xi32, #tpu.memory_space<hbm>>
    tpu.wait_dma2 semaphore(%arg10 : memref<!tpu.dma_semaphore, #tpu.memory_space<semaphore_mem>>) src(%dma_wait3A_62 : memref<128xi32, #tpu.memory_space<hbm>>) dst(%dma_wait3A_59 : memref<128xi32, #tpu.memory_space<vmem>>)
    %dma_wait3A_63 = arith.constant 0 : i32
    %dma_wait3A_64 = arith.constant 0 : i32
    %dma_wait3A_65 = arith.constant 0 : i32
    %dma_wait3A_66 = tpu.memref_slice %arg6[%dma_wait3A_64, %dma_wait3A_65] : memref<4x128xi32, #tpu.memory_space<vmem>> -> memref<1x128xi32, #tpu.memory_space<vmem>>
    %dma_wait3A_67 = tpu.memref_squeeze %dma_wait3A_66 : memref<1x128xi32, #tpu.memory_space<vmem>> -> memref<128xi32, #tpu.memory_space<vmem>>
    %dma_wait3A_68 = arith.constant 0 : i32
    %dma_wait3A_69 = tpu.memref_slice %arg3[%dma_wait3A_63, %dma_wait3A_68] : memref<4x4096xi32, #tpu.memory_space<hbm>> -> memref<1x128xi32, #tpu.memory_space<hbm>>
    %dma_wait3A_70 = tpu.memref_squeeze %dma_wait3A_69 : memref<1x128xi32, #tpu.memory_space<hbm>> -> memref<128xi32, #tpu.memory_space<hbm>>
    %dma_wait3A_71 = arith.constant 0 : i32
    %dma_wait3A_72 = tpu.memref_slice %arg6[%dma_wait3A_64, %dma_wait3A_71] : memref<4x128xi32, #tpu.memory_space<vmem>> -> memref<1x128xi32, #tpu.memory_space<vmem>>
    %dma_wait3A_73 = tpu.memref_squeeze %dma_wait3A_72 : memref<1x128xi32, #tpu.memory_space<vmem>> -> memref<128xi32, #tpu.memory_space<vmem>>
    %dma_wait3A_74 = arith.constant 0 : i32
    %dma_wait3A_75 = tpu.memref_slice %arg3[%dma_wait3A_63, %dma_wait3A_74] : memref<4x4096xi32, #tpu.memory_space<hbm>> -> memref<1x128xi32, #tpu.memory_space<hbm>>
    %dma_wait3A_76 = tpu.memref_squeeze %dma_wait3A_75 : memref<1x128xi32, #tpu.memory_space<hbm>> -> memref<128xi32, #tpu.memory_space<hbm>>
    tpu.wait_dma2 semaphore(%arg10 : memref<!tpu.dma_semaphore, #tpu.memory_space<semaphore_mem>>) src(%dma_wait3A_76 : memref<128xi32, #tpu.memory_space<hbm>>) dst(%dma_wait3A_73 : memref<128xi32, #tpu.memory_space<vmem>>)
    %dma_wait3A_77 = arith.constant 0 : i32
    %dma_wait3A_78 = arith.constant 0 : i32
    %dma_wait3A_79 = arith.constant 0 : i32
    %dma_wait3A_80 = tpu.memref_slice %arg6[%dma_wait3A_78, %dma_wait3A_79] : memref<4x128xi32, #tpu.memory_space<vmem>> -> memref<1x128xi32, #tpu.memory_space<vmem>>
    %dma_wait3A_81 = tpu.memref_squeeze %dma_wait3A_80 : memref<1x128xi32, #tpu.memory_space<vmem>> -> memref<128xi32, #tpu.memory_space<vmem>>
    %dma_wait3A_82 = arith.constant 0 : i32
    %dma_wait3A_83 = tpu.memref_slice %arg3[%dma_wait3A_77, %dma_wait3A_82] : memref<4x4096xi32, #tpu.memory_space<hbm>> -> memref<1x128xi32, #tpu.memory_space<hbm>>
    %dma_wait3A_84 = tpu.memref_squeeze %dma_wait3A_83 : memref<1x128xi32, #tpu.memory_space<hbm>> -> memref<128xi32, #tpu.memory_space<hbm>>
    %dma_wait3A_85 = arith.constant 0 : i32
    %dma_wait3A_86 = tpu.memref_slice %arg6[%dma_wait3A_78, %dma_wait3A_85] : memref<4x128xi32, #tpu.memory_space<vmem>> -> memref<1x128xi32, #tpu.memory_space<vmem>>
    %dma_wait3A_87 = tpu.memref_squeeze %dma_wait3A_86 : memref<1x128xi32, #tpu.memory_space<vmem>> -> memref<128xi32, #tpu.memory_space<vmem>>
    %dma_wait3A_88 = arith.constant 0 : i32
    %dma_wait3A_89 = tpu.memref_slice %arg3[%dma_wait3A_77, %dma_wait3A_88] : memref<4x4096xi32, #tpu.memory_space<hbm>> -> memref<1x128xi32, #tpu.memory_space<hbm>>
    %dma_wait3A_90 = tpu.memref_squeeze %dma_wait3A_89 : memref<1x128xi32, #tpu.memory_space<hbm>> -> memref<128xi32, #tpu.memory_space<hbm>>
    tpu.wait_dma2 semaphore(%arg10 : memref<!tpu.dma_semaphore, #tpu.memory_space<semaphore_mem>>) src(%dma_wait3A_90 : memref<128xi32, #tpu.memory_space<hbm>>) dst(%dma_wait3A_87 : memref<128xi32, #tpu.memory_space<vmem>>)
    %dma_wait3A_91 = arith.constant 0 : i32
    %dma_wait3A_92 = arith.constant 0 : i32
    %dma_wait3A_93 = arith.constant 0 : i32
    %dma_wait3A_94 = tpu.memref_slice %arg6[%dma_wait3A_92, %dma_wait3A_93] : memref<4x128xi32, #tpu.memory_space<vmem>> -> memref<1x128xi32, #tpu.memory_space<vmem>>
    %dma_wait3A_95 = tpu.memref_squeeze %dma_wait3A_94 : memref<1x128xi32, #tpu.memory_space<vmem>> -> memref<128xi32, #tpu.memory_space<vmem>>
    %dma_wait3A_96 = arith.constant 0 : i32
    %dma_wait3A_97 = tpu.memref_slice %arg3[%dma_wait3A_91, %dma_wait3A_96] : memref<4x4096xi32, #tpu.memory_space<hbm>> -> memref<1x128xi32, #tpu.memory_space<hbm>>
    %dma_wait3A_98 = tpu.memref_squeeze %dma_wait3A_97 : memref<1x128xi32, #tpu.memory_space<hbm>> -> memref<128xi32, #tpu.memory_space<hbm>>
    %dma_wait3A_99 = arith.constant 0 : i32
    %dma_wait3A_100 = tpu.memref_slice %arg6[%dma_wait3A_92, %dma_wait3A_99] : memref<4x128xi32, #tpu.memory_space<vmem>> -> memref<1x128xi32, #tpu.memory_space<vmem>>
    %dma_wait3A_101 = tpu.memref_squeeze %dma_wait3A_100 : memref<1x128xi32, #tpu.memory_space<vmem>> -> memref<128xi32, #tpu.memory_space<vmem>>
    %dma_wait3A_102 = arith.constant 0 : i32
    %dma_wait3A_103 = tpu.memref_slice %arg3[%dma_wait3A_91, %dma_wait3A_102] : memref<4x4096xi32, #tpu.memory_space<hbm>> -> memref<1x128xi32, #tpu.memory_space<hbm>>
    %dma_wait3A_104 = tpu.memref_squeeze %dma_wait3A_103 : memref<1x128xi32, #tpu.memory_space<hbm>> -> memref<128xi32, #tpu.memory_space<hbm>>
    tpu.wait_dma2 semaphore(%arg10 : memref<!tpu.dma_semaphore, #tpu.memory_space<semaphore_mem>>) src(%dma_wait3A_104 : memref<128xi32, #tpu.memory_space<hbm>>) dst(%dma_wait3A_101 : memref<128xi32, #tpu.memory_space<vmem>>)
    %add3A_105 = arith.constant 0 : i32
    %add3A_106 = arith.addi %mul3A_2, %add3A_105 : i32
    %dma_start3A_107 = arith.constant 0 : i32
    %dma_start3A_108 = arith.constant 0 : i32
    %dma_start3A_109 = arith.constant 0 : i32
    %dma_start3A_110 = tpu.memref_slice %arg7[%dma_start3A_107, %dma_start3A_108, %dma_start3A_109] : memref<2x16x1024xf32, #tpu.memory_space<vmem>> -> memref<1x16x1024xf32, #tpu.memory_space<vmem>>
    %dma_start3A_111 = tpu.memref_squeeze %dma_start3A_110 : memref<1x16x1024xf32, #tpu.memory_space<vmem>> -> memref<16x1024xf32, #tpu.memory_space<vmem>>
    %dma_start3A_112 = arith.constant 0 : i32
    %dma_start3A_113 = tpu.memref_slice %arg4[%add3A_106, %dma_start3A_112] : memref<4096x1024xf32, #tpu.memory_space<hbm>> -> memref<16x1024xf32, #tpu.memory_space<hbm>>
    %dma_start3A_114 = arith.constant 0 : i32
    %dma_start3A_115 = arith.constant 0 : i32
    %dma_start3A_116 = tpu.memref_slice %arg7[%dma_start3A_107, %dma_start3A_114, %dma_start3A_115] : memref<2x16x1024xf32, #tpu.memory_space<vmem>> -> memref<1x16x1024xf32, #tpu.memory_space<vmem>>
    %dma_start3A_117 = tpu.memref_squeeze %dma_start3A_116 : memref<1x16x1024xf32, #tpu.memory_space<vmem>> -> memref<16x1024xf32, #tpu.memory_space<vmem>>
    %dma_start3A_118 = arith.constant 0 : i32
    %dma_start3A_119 = tpu.memref_slice %arg4[%add3A_106, %dma_start3A_118] : memref<4096x1024xf32, #tpu.memory_space<hbm>> -> memref<16x1024xf32, #tpu.memory_space<hbm>>
    tpu.enqueue_dma source(%dma_start3A_119 : memref<16x1024xf32, #tpu.memory_space<hbm>>) target(%dma_start3A_117 : memref<16x1024xf32, #tpu.memory_space<vmem>>) target_semaphore(%arg10 : memref<!tpu.dma_semaphore, #tpu.memory_space<semaphore_mem>>)
    %shift_right_logical3A = arith.constant 0 : i32
    %shift_right_logical3A_120 = arith.constant 2 : i32
    %shift_right_logical3A_121 = arith.shrui %shift_right_logical3A, %shift_right_logical3A_120 : i32
    %mul3A_122 = arith.constant 16 : i32
    %mul3A_123 = arith.muli %shift_right_logical3A_121, %mul3A_122 : i32
    %dma_start3A_124 = arith.constant 0 : i32
    %dma_start3A_125 = arith.constant 0 : i32
    %dma_start3A_126 = arith.constant 0 : i32
    %dma_start3A_127 = arith.constant 0 : i32
    %dma_start3A_128 = arith.constant 0 : i32
    %dma_start3A_129 = tpu.memref_slice %arg8[%dma_start3A_125, %dma_start3A_127, %dma_start3A_128] : memref<4x16x1024xf32, #tpu.memory_space<vmem>> -> memref<1x16x1024xf32, #tpu.memory_space<vmem>>
    %dma_start3A_130 = tpu.memref_squeeze %dma_start3A_129 : memref<1x16x1024xf32, #tpu.memory_space<vmem>> -> memref<16x1024xf32, #tpu.memory_space<vmem>>
    %dma_start3A_131 = tpu.memref_slice %arg6[%dma_start3A_124, %mul3A_123] : memref<4x128xi32, #tpu.memory_space<vmem>> -> memref<1x16xi32, #tpu.memory_space<vmem>>
    %dma_start3A_132 = tpu.memref_squeeze %dma_start3A_131 : memref<1x16xi32, #tpu.memory_space<vmem>> -> memref<16xi32, #tpu.memory_space<vmem>>
    %dma_start3A_133 = arith.constant 0 : i32
    %dma_start3A_134 = arith.constant 0 : i32
    %dma_start3A_135 = tpu.memref_slice %arg2[%dma_start3A_133, %dma_start3A_134] : memref<100000x1024xf32, #tpu.memory_space<hbm>> -> memref<100000x1024xf32, #tpu.memory_space<hbm>>
    %dma_start3A_136 = tpu.memref_slice %arg9[%dma_start3A_126] : memref<4x!tpu.dma_semaphore, #tpu.memory_space<semaphore_mem>> -> memref<1x!tpu.dma_semaphore, #tpu.memory_space<semaphore_mem>>
    %dma_start3A_137 = tpu.memref_squeeze %dma_start3A_136 : memref<1x!tpu.dma_semaphore, #tpu.memory_space<semaphore_mem>> -> memref<!tpu.dma_semaphore, #tpu.memory_space<semaphore_mem>>
    tpu.enqueue_indirect_dma source(%dma_start3A_135 : memref<100000x1024xf32, #tpu.memory_space<hbm>>) target(%dma_start3A_130 : memref<16x1024xf32, #tpu.memory_space<vmem>>) offsets(%dma_start3A_132 : memref<16xi32, #tpu.memory_space<vmem>>) semaphore(%dma_start3A_137 : memref<!tpu.dma_semaphore, #tpu.memory_space<semaphore_mem>>)
    %shift_right_logical3A_138 = arith.constant 1 : i32
    %shift_right_logical3A_139 = arith.constant 2 : i32
    %shift_right_logical3A_140 = arith.shrui %shift_right_logical3A_138, %shift_right_logical3A_139 : i32
    %mul3A_141 = arith.constant 16 : i32
    %mul3A_142 = arith.muli %shift_right_logical3A_140, %mul3A_141 : i32
    %dma_start3A_143 = arith.constant 1 : i32
    %dma_start3A_144 = arith.constant 1 : i32
    %dma_start3A_145 = arith.constant 1 : i32
    %dma_start3A_146 = arith.constant 0 : i32
    %dma_start3A_147 = arith.constant 0 : i32
    %dma_start3A_148 = tpu.memref_slice %arg8[%dma_start3A_144, %dma_start3A_146, %dma_start3A_147] : memref<4x16x1024xf32, #tpu.memory_space<vmem>> -> memref<1x16x1024xf32, #tpu.memory_space<vmem>>
    %dma_start3A_149 = tpu.memref_squeeze %dma_start3A_148 : memref<1x16x1024xf32, #tpu.memory_space<vmem>> -> memref<16x1024xf32, #tpu.memory_space<vmem>>
    %dma_start3A_150 = tpu.memref_slice %arg6[%dma_start3A_143, %mul3A_142] : memref<4x128xi32, #tpu.memory_space<vmem>> -> memref<1x16xi32, #tpu.memory_space<vmem>>
    %dma_start3A_151 = tpu.memref_squeeze %dma_start3A_150 : memref<1x16xi32, #tpu.memory_space<vmem>> -> memref<16xi32, #tpu.memory_space<vmem>>
    %dma_start3A_152 = arith.constant 0 : i32
    %dma_start3A_153 = arith.constant 0 : i32
    %dma_start3A_154 = tpu.memref_slice %arg2[%dma_start3A_152, %dma_start3A_153] : memref<100000x1024xf32, #tpu.memory_space<hbm>> -> memref<100000x1024xf32, #tpu.memory_space<hbm>>
    %dma_start3A_155 = tpu.memref_slice %arg9[%dma_start3A_145] : memref<4x!tpu.dma_semaphore, #tpu.memory_space<semaphore_mem>> -> memref<1x!tpu.dma_semaphore, #tpu.memory_space<semaphore_mem>>
    %dma_start3A_156 = tpu.memref_squeeze %dma_start3A_155 : memref<1x!tpu.dma_semaphore, #tpu.memory_space<semaphore_mem>> -> memref<!tpu.dma_semaphore, #tpu.memory_space<semaphore_mem>>
    tpu.enqueue_indirect_dma source(%dma_start3A_154 : memref<100000x1024xf32, #tpu.memory_space<hbm>>) target(%dma_start3A_149 : memref<16x1024xf32, #tpu.memory_space<vmem>>) offsets(%dma_start3A_151 : memref<16xi32, #tpu.memory_space<vmem>>) semaphore(%dma_start3A_156 : memref<!tpu.dma_semaphore, #tpu.memory_space<semaphore_mem>>)
    %scan3A = arith.constant 0 : i32
    %scan3A_157 = arith.constant 0 : i32
    %scan3A_158 = arith.constant 32 : i32
    %scan3A_159 = arith.addi %scan3A_157, %scan3A_158 : i32
    %scan3A_160 = arith.constant 1 : i32
    %scan3A_161 = scf.for %scan3A_199 = %scan3A_157 to %scan3A_159 step %scan3A_160 iter_args(%scan3A_200 = %scan3A) -> (i32)  : i32 {
      %and3A = arith.constant 3 : i32
      %and3A_201 = arith.andi %scan3A_199, %and3A : i32
      %shift_right_logical3A_202 = arith.constant 2 : i32
      %shift_right_logical3A_203 = arith.shrui %scan3A_199, %shift_right_logical3A_202 : i32
      %add3A_204 = arith.constant 2 : i32
      %add3A_205 = arith.addi %scan3A_199, %add3A_204 : i32
      %and3A_206 = arith.constant 3 : i32
      %and3A_207 = arith.andi %add3A_205, %and3A_206 : i32
      %ge3A = arith.constant 2 : i32
      %ge3A_208 = arith.cmpi sge, %scan3A_199, %ge3A : i32
      %convert_element_type3A = arith.extui %ge3A_208 : i1 to i32
      %cond3A = arith.constant 0 : i32
      %cond3A_209 = arith.cmpi ne, %convert_element_type3A, %cond3A : i32
      scf.if %cond3A_209 {
        %dma_wait3A_259 = arith.constant 0 : i32
        %dma_wait3A_260 = arith.constant 0 : i32
        %dma_wait3A_261 = arith.constant 0 : i32
        %dma_wait3A_262 = tpu.memref_slice %arg8[%dma_wait3A_259, %dma_wait3A_260, %dma_wait3A_261] : memref<4x16x1024xf32, #tpu.memory_space<vmem>> -> memref<1x16x1024xf32, #tpu.memory_space<vmem>>
        %dma_wait3A_263 = tpu.memref_squeeze %dma_wait3A_262 : memref<1x16x1024xf32, #tpu.memory_space<vmem>> -> memref<16x1024xf32, #tpu.memory_space<vmem>>
        %dma_wait3A_264 = arith.constant 0 : i32
        %dma_wait3A_265 = arith.constant 0 : i32
        %dma_wait3A_266 = tpu.memref_slice %arg5[%dma_wait3A_264, %dma_wait3A_265] : memref<16384x1024xf32, #tpu.memory_space<hbm>> -> memref<16x1024xf32, #tpu.memory_space<hbm>>
        %dma_wait3A_267 = tpu.memref_slice %arg9[%and3A_207] : memref<4x!tpu.dma_semaphore, #tpu.memory_space<semaphore_mem>> -> memref<1x!tpu.dma_semaphore, #tpu.memory_space<semaphore_mem>>
        %dma_wait3A_268 = tpu.memref_squeeze %dma_wait3A_267 : memref<1x!tpu.dma_semaphore, #tpu.memory_space<semaphore_mem>> -> memref<!tpu.dma_semaphore, #tpu.memory_space<semaphore_mem>>
        %dma_wait3A_269 = arith.constant 0 : i32
        %dma_wait3A_270 = arith.constant 0 : i32
        %dma_wait3A_271 = tpu.memref_slice %arg5[%dma_wait3A_269, %dma_wait3A_270] : memref<16384x1024xf32, #tpu.memory_space<hbm>> -> memref<16x1024xf32, #tpu.memory_space<hbm>>
        %dma_wait3A_272 = arith.constant 0 : i32
        %dma_wait3A_273 = arith.constant 0 : i32
        %dma_wait3A_274 = tpu.memref_slice %arg8[%dma_wait3A_259, %dma_wait3A_272, %dma_wait3A_273] : memref<4x16x1024xf32, #tpu.memory_space<vmem>> -> memref<1x16x1024xf32, #tpu.memory_space<vmem>>
        %dma_wait3A_275 = tpu.memref_squeeze %dma_wait3A_274 : memref<1x16x1024xf32, #tpu.memory_space<vmem>> -> memref<16x1024xf32, #tpu.memory_space<vmem>>
        tpu.wait_dma2 semaphore(%dma_wait3A_268 : memref<!tpu.dma_semaphore, #tpu.memory_space<semaphore_mem>>) src(%dma_wait3A_275 : memref<16x1024xf32, #tpu.memory_space<vmem>>) dst(%dma_wait3A_271 : memref<16x1024xf32, #tpu.memory_space<hbm>>)
      } else {
      }
      %add3A_210 = arith.constant 2 : i32
      %add3A_211 = arith.addi %scan3A_199, %add3A_210 : i32
      %lt3A = arith.constant 32 : i32
      %lt3A_212 = arith.cmpi slt, %add3A_211, %lt3A : i32
      %convert_element_type3A_213 = arith.extui %lt3A_212 : i1 to i32
      %cond3A_214 = arith.constant 0 : i32
      %cond3A_215 = arith.cmpi ne, %convert_element_type3A_213, %cond3A_214 : i32
      scf.if %cond3A_215 {
        %add3A_259 = arith.constant 2 : i32
        %add3A_260 = arith.addi %scan3A_199, %add3A_259 : i32
        %and3A_261 = arith.constant 3 : i32
        %and3A_262 = arith.andi %add3A_260, %and3A_261 : i32
        %shift_right_logical3A_263 = arith.constant 2 : i32
        %shift_right_logical3A_264 = arith.shrui %add3A_260, %shift_right_logical3A_263 : i32
        %mul3A_265 = arith.constant 16 : i32
        %mul3A_266 = arith.muli %shift_right_logical3A_264, %mul3A_265 : i32
        %and3A_267 = arith.constant 3 : i32
        %and3A_268 = arith.andi %add3A_260, %and3A_267 : i32
        %and3A_269 = arith.constant 3 : i32
        %and3A_270 = arith.andi %add3A_260, %and3A_269 : i32
        %dma_start3A_271 = arith.constant 0 : i32
        %dma_start3A_272 = arith.constant 0 : i32
        %dma_start3A_273 = tpu.memref_slice %arg8[%and3A_268, %dma_start3A_271, %dma_start3A_272] : memref<4x16x1024xf32, #tpu.memory_space<vmem>> -> memref<1x16x1024xf32, #tpu.memory_space<vmem>>
        %dma_start3A_274 = tpu.memref_squeeze %dma_start3A_273 : memref<1x16x1024xf32, #tpu.memory_space<vmem>> -> memref<16x1024xf32, #tpu.memory_space<vmem>>
        %dma_start3A_275 = tpu.memref_slice %arg6[%and3A_262, %mul3A_266] : memref<4x128xi32, #tpu.memory_space<vmem>> -> memref<1x16xi32, #tpu.memory_space<vmem>>
        %dma_start3A_276 = tpu.memref_squeeze %dma_start3A_275 : memref<1x16xi32, #tpu.memory_space<vmem>> -> memref<16xi32, #tpu.memory_space<vmem>>
        %dma_start3A_277 = arith.constant 0 : i32
        %dma_start3A_278 = arith.constant 0 : i32
        %dma_start3A_279 = tpu.memref_slice %arg2[%dma_start3A_277, %dma_start3A_278] : memref<100000x1024xf32, #tpu.memory_space<hbm>> -> memref<100000x1024xf32, #tpu.memory_space<hbm>>
        %dma_start3A_280 = tpu.memref_slice %arg9[%and3A_270] : memref<4x!tpu.dma_semaphore, #tpu.memory_space<semaphore_mem>> -> memref<1x!tpu.dma_semaphore, #tpu.memory_space<semaphore_mem>>
        %dma_start3A_281 = tpu.memref_squeeze %dma_start3A_280 : memref<1x!tpu.dma_semaphore, #tpu.memory_space<semaphore_mem>> -> memref<!tpu.dma_semaphore, #tpu.memory_space<semaphore_mem>>
        tpu.enqueue_indirect_dma source(%dma_start3A_279 : memref<100000x1024xf32, #tpu.memory_space<hbm>>) target(%dma_start3A_274 : memref<16x1024xf32, #tpu.memory_space<vmem>>) offsets(%dma_start3A_276 : memref<16xi32, #tpu.memory_space<vmem>>) semaphore(%dma_start3A_281 : memref<!tpu.dma_semaphore, #tpu.memory_space<semaphore_mem>>)
      } else {
      }
      %eq3A = arith.constant 0 : i32
      %eq3A_216 = arith.cmpi eq, %and3A_201, %eq3A : i32
      %convert_element_type3A_217 = arith.extui %eq3A_216 : i1 to i32
      %cond3A_218 = arith.constant 0 : i32
      %cond3A_219 = arith.cmpi ne, %convert_element_type3A_217, %cond3A_218 : i32
      scf.if %cond3A_219 {
        %dma_wait3A_259 = arith.constant 0 : i32
        %dma_wait3A_260 = arith.constant 0 : i32
        %dma_wait3A_261 = arith.constant 0 : i32
        %dma_wait3A_262 = tpu.memref_slice %arg7[%dma_wait3A_259, %dma_wait3A_260, %dma_wait3A_261] : memref<2x16x1024xf32, #tpu.memory_space<vmem>> -> memref<1x16x1024xf32, #tpu.memory_space<vmem>>
        %dma_wait3A_263 = tpu.memref_squeeze %dma_wait3A_262 : memref<1x16x1024xf32, #tpu.memory_space<vmem>> -> memref<16x1024xf32, #tpu.memory_space<vmem>>
        %dma_wait3A_264 = arith.constant 0 : i32
        %dma_wait3A_265 = arith.constant 0 : i32
        %dma_wait3A_266 = tpu.memref_slice %arg4[%dma_wait3A_264, %dma_wait3A_265] : memref<4096x1024xf32, #tpu.memory_space<hbm>> -> memref<16x1024xf32, #tpu.memory_space<hbm>>
        %dma_wait3A_267 = arith.constant 0 : i32
        %dma_wait3A_268 = arith.constant 0 : i32
        %dma_wait3A_269 = tpu.memref_slice %arg7[%dma_wait3A_259, %dma_wait3A_267, %dma_wait3A_268] : memref<2x16x1024xf32, #tpu.memory_space<vmem>> -> memref<1x16x1024xf32, #tpu.memory_space<vmem>>
        %dma_wait3A_270 = tpu.memref_squeeze %dma_wait3A_269 : memref<1x16x1024xf32, #tpu.memory_space<vmem>> -> memref<16x1024xf32, #tpu.memory_space<vmem>>
        %dma_wait3A_271 = arith.constant 0 : i32
        %dma_wait3A_272 = arith.constant 0 : i32
        %dma_wait3A_273 = tpu.memref_slice %arg4[%dma_wait3A_271, %dma_wait3A_272] : memref<4096x1024xf32, #tpu.memory_space<hbm>> -> memref<16x1024xf32, #tpu.memory_space<hbm>>
        tpu.wait_dma2 semaphore(%arg10 : memref<!tpu.dma_semaphore, #tpu.memory_space<semaphore_mem>>) src(%dma_wait3A_273 : memref<16x1024xf32, #tpu.memory_space<hbm>>) dst(%dma_wait3A_270 : memref<16x1024xf32, #tpu.memory_space<vmem>>)
        %add3A_274 = arith.constant 1 : i32
        %add3A_275 = arith.addi %shift_right_logical3A_203, %add3A_274 : i32
        %lt3A_276 = arith.constant 8 : i32
        %lt3A_277 = arith.cmpi slt, %add3A_275, %lt3A_276 : i32
        %convert_element_type3A_278 = arith.extui %lt3A_277 : i1 to i32
        %cond3A_279 = arith.constant 0 : i32
        %cond3A_280 = arith.cmpi ne, %convert_element_type3A_278, %cond3A_279 : i32
        scf.if %cond3A_280 {
          %add3A_281 = arith.constant 1 : i32
          %add3A_282 = arith.addi %shift_right_logical3A_203, %add3A_281 : i32
          %mul3A_283 = arith.constant 16 : i32
          %mul3A_284 = arith.muli %add3A_282, %mul3A_283 : i32
          %add3A_285 = arith.addi %mul3A_2, %mul3A_284 : i32
          %and3A_286 = arith.constant 1 : i32
          %and3A_287 = arith.andi %add3A_282, %and3A_286 : i32
          %dma_start3A_288 = arith.constant 0 : i32
          %dma_start3A_289 = arith.constant 0 : i32
          %dma_start3A_290 = tpu.memref_slice %arg7[%and3A_287, %dma_start3A_288, %dma_start3A_289] : memref<2x16x1024xf32, #tpu.memory_space<vmem>> -> memref<1x16x1024xf32, #tpu.memory_space<vmem>>
          %dma_start3A_291 = tpu.memref_squeeze %dma_start3A_290 : memref<1x16x1024xf32, #tpu.memory_space<vmem>> -> memref<16x1024xf32, #tpu.memory_space<vmem>>
          %dma_start3A_292 = arith.constant 0 : i32
          %dma_start3A_293 = tpu.memref_slice %arg4[%add3A_285, %dma_start3A_292] : memref<4096x1024xf32, #tpu.memory_space<hbm>> -> memref<16x1024xf32, #tpu.memory_space<hbm>>
          %dma_start3A_294 = arith.constant 0 : i32
          %dma_start3A_295 = arith.constant 0 : i32
          %dma_start3A_296 = tpu.memref_slice %arg7[%and3A_287, %dma_start3A_294, %dma_start3A_295] : memref<2x16x1024xf32, #tpu.memory_space<vmem>> -> memref<1x16x1024xf32, #tpu.memory_space<vmem>>
          %dma_start3A_297 = tpu.memref_squeeze %dma_start3A_296 : memref<1x16x1024xf32, #tpu.memory_space<vmem>> -> memref<16x1024xf32, #tpu.memory_space<vmem>>
          %dma_start3A_298 = arith.constant 0 : i32
          %dma_start3A_299 = tpu.memref_slice %arg4[%add3A_285, %dma_start3A_298] : memref<4096x1024xf32, #tpu.memory_space<hbm>> -> memref<16x1024xf32, #tpu.memory_space<hbm>>
          tpu.enqueue_dma source(%dma_start3A_299 : memref<16x1024xf32, #tpu.memory_space<hbm>>) target(%dma_start3A_297 : memref<16x1024xf32, #tpu.memory_space<vmem>>) target_semaphore(%arg10 : memref<!tpu.dma_semaphore, #tpu.memory_space<semaphore_mem>>)
        } else {
        }
      } else {
      }
      %dma_wait3A_220 = arith.constant 0 : i32
      %dma_wait3A_221 = arith.constant 0 : i32
      %dma_wait3A_222 = arith.constant 0 : i32
      %dma_wait3A_223 = arith.constant 0 : i32
      %dma_wait3A_224 = tpu.memref_slice %arg8[%dma_wait3A_221, %dma_wait3A_222, %dma_wait3A_223] : memref<4x16x1024xf32, #tpu.memory_space<vmem>> -> memref<1x16x1024xf32, #tpu.memory_space<vmem>>
      %dma_wait3A_225 = tpu.memref_squeeze %dma_wait3A_224 : memref<1x16x1024xf32, #tpu.memory_space<vmem>> -> memref<16x1024xf32, #tpu.memory_space<vmem>>
      %dma_wait3A_226 = arith.constant 0 : i32
      %dma_wait3A_227 = tpu.memref_slice %arg6[%dma_wait3A_220, %dma_wait3A_226] : memref<4x128xi32, #tpu.memory_space<vmem>> -> memref<1x16xi32, #tpu.memory_space<vmem>>
      %dma_wait3A_228 = tpu.memref_squeeze %dma_wait3A_227 : memref<1x16xi32, #tpu.memory_space<vmem>> -> memref<16xi32, #tpu.memory_space<vmem>>
      %dma_wait3A_229 = arith.constant 0 : i32
      %dma_wait3A_230 = arith.constant 0 : i32
      %dma_wait3A_231 = tpu.memref_slice %arg2[%dma_wait3A_229, %dma_wait3A_230] : memref<100000x1024xf32, #tpu.memory_space<hbm>> -> memref<100000x1024xf32, #tpu.memory_space<hbm>>
      %dma_wait3A_232 = tpu.memref_slice %arg9[%and3A_201] : memref<4x!tpu.dma_semaphore, #tpu.memory_space<semaphore_mem>> -> memref<1x!tpu.dma_semaphore, #tpu.memory_space<semaphore_mem>>
      %dma_wait3A_233 = tpu.memref_squeeze %dma_wait3A_232 : memref<1x!tpu.dma_semaphore, #tpu.memory_space<semaphore_mem>> -> memref<!tpu.dma_semaphore, #tpu.memory_space<semaphore_mem>>
      tpu.wait_indirect_dma semaphore(%dma_wait3A_233 : memref<!tpu.dma_semaphore, #tpu.memory_space<semaphore_mem>>) src(%dma_wait3A_231 : memref<100000x1024xf32, #tpu.memory_space<hbm>>) dst(%dma_wait3A_225 : memref<16x1024xf32, #tpu.memory_space<vmem>>)
      %and3A_234 = arith.constant 1 : i32
      %and3A_235 = arith.andi %shift_right_logical3A_203, %and3A_234 : i32
      %parallel_loop3A = arith.constant 0 : i32
      %parallel_loop3A_236 = arith.constant 16 : i32
      %parallel_loop3A_237 = arith.constant 1 : i32
      scf.for %parallel_loop3A_259 = %parallel_loop3A to %parallel_loop3A_236 step %parallel_loop3A_237  : i32 {
        %parallel_loop3A_260 = arith.index_cast %and3A_235 : i32 to index
        %parallel_loop3A_261 = arith.index_cast %parallel_loop3A_259 : i32 to index
        %parallel_loop3A_262 = arith.constant 0 : index
        %parallel_loop3A_263 = tpu.vector_load %arg7[%parallel_loop3A_260, %parallel_loop3A_261, %parallel_loop3A_262] {strides = array<i32>} : memref<2x16x1024xf32, #tpu.memory_space<vmem>>, vector<1x1x16xf32>,
        %parallel_loop3A_264 = vector.shape_cast %parallel_loop3A_263 : vector<1x1x16xf32> to vector<16xf32>
        %parallel_loop3A_265 = arith.index_cast %and3A_201 : i32 to index
        %parallel_loop3A_266 = arith.index_cast %parallel_loop3A_259 : i32 to index
        %parallel_loop3A_267 = arith.constant 0 : index
        %parallel_loop3A_268 = tpu.vector_load %arg8[%parallel_loop3A_265, %parallel_loop3A_266, %parallel_loop3A_267] {strides = array<i32>} : memref<4x16x1024xf32, #tpu.memory_space<vmem>>, vector<1x1x16xf32>,
        %parallel_loop3A_269 = vector.shape_cast %parallel_loop3A_268 : vector<1x1x16xf32> to vector<16xf32>
        %parallel_loop3A_270 = vector.shape_cast %parallel_loop3A_264 : vector<16xf32> to vector<1x1x16xf32>
        tpu.vector_store %arg8[%parallel_loop3A_265, %parallel_loop3A_266, %parallel_loop3A_267], %parallel_loop3A_270 {add = true, strides = array<i32>} : memref<4x16x1024xf32, #tpu.memory_space<vmem>>, vector<1x1x16xf32>,
        %parallel_loop3A_271 = arith.index_cast %and3A_235 : i32 to index
        %parallel_loop3A_272 = arith.index_cast %parallel_loop3A_259 : i32 to index
        %parallel_loop3A_273 = arith.constant 16 : index
        %parallel_loop3A_274 = tpu.vector_load %arg7[%parallel_loop3A_271, %parallel_loop3A_272, %parallel_loop3A_273] {strides = array<i32>} : memref<2x16x1024xf32, #tpu.memory_space<vmem>>, vector<1x1x16xf32>,
        %parallel_loop3A_275 = vector.shape_cast %parallel_loop3A_274 : vector<1x1x16xf32> to vector<16xf32>
        %parallel_loop3A_276 = arith.index_cast %and3A_201 : i32 to index
        %parallel_loop3A_277 = arith.index_cast %parallel_loop3A_259 : i32 to index
        %parallel_loop3A_278 = arith.constant 16 : index
        %parallel_loop3A_279 = tpu.vector_load %arg8[%parallel_loop3A_276, %parallel_loop3A_277, %parallel_loop3A_278] {strides = array<i32>} : memref<4x16x1024xf32, #tpu.memory_space<vmem>>, vector<1x1x16xf32>,
        %parallel_loop3A_280 = vector.shape_cast %parallel_loop3A_279 : vector<1x1x16xf32> to vector<16xf32>
        %parallel_loop3A_281 = vector.shape_cast %parallel_loop3A_275 : vector<16xf32> to vector<1x1x16xf32>
        tpu.vector_store %arg8[%parallel_loop3A_276, %parallel_loop3A_277, %parallel_loop3A_278], %parallel_loop3A_281 {add = true, strides = array<i32>} : memref<4x16x1024xf32, #tpu.memory_space<vmem>>, vector<1x1x16xf32>,
        %parallel_loop3A_282 = arith.index_cast %and3A_235 : i32 to index
        %parallel_loop3A_283 = arith.index_cast %parallel_loop3A_259 : i32 to index
        %parallel_loop3A_284 = arith.constant 32 : index
        %parallel_loop3A_285 = tpu.vector_load %arg7[%parallel_loop3A_282, %parallel_loop3A_283, %parallel_loop3A_284] {strides = array<i32>} : memref<2x16x1024xf32, #tpu.memory_space<vmem>>, vector<1x1x16xf32>,
        %parallel_loop3A_286 = vector.shape_cast %parallel_loop3A_285 : vector<1x1x16xf32> to vector<16xf32>
        %parallel_loop3A_287 = arith.index_cast %and3A_201 : i32 to index
        %parallel_loop3A_288 = arith.index_cast %parallel_loop3A_259 : i32 to index
        %parallel_loop3A_289 = arith.constant 32 : index
        %parallel_loop3A_290 = tpu.vector_load %arg8[%parallel_loop3A_287, %parallel_loop3A_288, %parallel_loop3A_289] {strides = array<i32>} : memref<4x16x1024xf32, #tpu.memory_space<vmem>>, vector<1x1x16xf32>,
        %parallel_loop3A_291 = vector.shape_cast %parallel_loop3A_290 : vector<1x1x16xf32> to vector<16xf32>
        %parallel_loop3A_292 = vector.shape_cast %parallel_loop3A_286 : vector<16xf32> to vector<1x1x16xf32>
        tpu.vector_store %arg8[%parallel_loop3A_287, %parallel_loop3A_288, %parallel_loop3A_289], %parallel_loop3A_292 {add = true, strides = array<i32>} : memref<4x16x1024xf32, #tpu.memory_space<vmem>>, vector<1x1x16xf32>,
        %parallel_loop3A_293 = arith.index_cast %and3A_235 : i32 to index
        %parallel_loop3A_294 = arith.index_cast %parallel_loop3A_259 : i32 to index
        %parallel_loop3A_295 = arith.constant 48 : index
        %parallel_loop3A_296 = tpu.vector_load %arg7[%parallel_loop3A_293, %parallel_loop3A_294, %parallel_loop3A_295] {strides = array<i32>} : memref<2x16x1024xf32, #tpu.memory_space<vmem>>, vector<1x1x16xf32>,
        %parallel_loop3A_297 = vector.shape_cast %parallel_loop3A_296 : vector<1x1x16xf32> to vector<16xf32>
        %parallel_loop3A_298 = arith.index_cast %and3A_201 : i32 to index
        %parallel_loop3A_299 = arith.index_cast %parallel_loop3A_259 : i32 to index
        %parallel_loop3A_300 = arith.constant 48 : index
        %parallel_loop3A_301 = tpu.vector_load %arg8[%parallel_loop3A_298, %parallel_loop3A_299, %parallel_loop3A_300] {strides = array<i32>} : memref<4x16x1024xf32, #tpu.memory_space<vmem>>, vector<1x1x16xf32>,
        %parallel_loop3A_302 = vector.shape_cast %parallel_loop3A_301 : vector<1x1x16xf32> to vector<16xf32>
        %parallel_loop3A_303 = vector.shape_cast %parallel_loop3A_297 : vector<16xf32> to vector<1x1x16xf32>
        tpu.vector_store %arg8[%parallel_loop3A_298, %parallel_loop3A_299, %parallel_loop3A_300], %parallel_loop3A_303 {add = true, strides = array<i32>} : memref<4x16x1024xf32, #tpu.memory_space<vmem>>, vector<1x1x16xf32>,
        %parallel_loop3A_304 = arith.index_cast %and3A_235 : i32 to index
        %parallel_loop3A_305 = arith.index_cast %parallel_loop3A_259 : i32 to index
        %parallel_loop3A_306 = arith.constant 64 : index
        %parallel_loop3A_307 = tpu.vector_load %arg7[%parallel_loop3A_304, %parallel_loop3A_305, %parallel_loop3A_306] {strides = array<i32>} : memref<2x16x1024xf32, #tpu.memory_space<vmem>>, vector<1x1x16xf32>,
        %parallel_loop3A_308 = vector.shape_cast %parallel_loop3A_307 : vector<1x1x16xf32> to vector<16xf32>
        %parallel_loop3A_309 = arith.index_cast %and3A_201 : i32 to index
        %parallel_loop3A_310 = arith.index_cast %parallel_loop3A_259 : i32 to index
        %parallel_loop3A_311 = arith.constant 64 : index
        %parallel_loop3A_312 = tpu.vector_load %arg8[%parallel_loop3A_309, %parallel_loop3A_310, %parallel_loop3A_311] {strides = array<i32>} : memref<4x16x1024xf32, #tpu.memory_space<vmem>>, vector<1x1x16xf32>,
        %parallel_loop3A_313 = vector.shape_cast %parallel_loop3A_312 : vector<1x1x16xf32> to vector<16xf32>
        %parallel_loop3A_314 = vector.shape_cast %parallel_loop3A_308 : vector<16xf32> to vector<1x1x16xf32>
        tpu.vector_store %arg8[%parallel_loop3A_309, %parallel_loop3A_310, %parallel_loop3A_311], %parallel_loop3A_314 {add = true, strides = array<i32>} : memref<4x16x1024xf32, #tpu.memory_space<vmem>>, vector<1x1x16xf32>,
        %parallel_loop3A_315 = arith.index_cast %and3A_235 : i32 to index
        %parallel_loop3A_316 = arith.index_cast %parallel_loop3A_259 : i32 to index
        %parallel_loop3A_317 = arith.constant 80 : index
        %parallel_loop3A_318 = tpu.vector_load %arg7[%parallel_loop3A_315, %parallel_loop3A_316, %parallel_loop3A_317] {strides = array<i32>} : memref<2x16x1024xf32, #tpu.memory_space<vmem>>, vector<1x1x16xf32>,
        %parallel_loop3A_319 = vector.shape_cast %parallel_loop3A_318 : vector<1x1x16xf32> to vector<16xf32>
        %parallel_loop3A_320 = arith.index_cast %and3A_201 : i32 to index
        %parallel_loop3A_321 = arith.index_cast %parallel_loop3A_259 : i32 to index
        %parallel_loop3A_322 = arith.constant 80 : index
        %parallel_loop3A_323 = tpu.vector_load %arg8[%parallel_loop3A_320, %parallel_loop3A_321, %parallel_loop3A_322] {strides = array<i32>} : memref<4x16x1024xf32, #tpu.memory_space<vmem>>, vector<1x1x16xf32>,
        %parallel_loop3A_324 = vector.shape_cast %parallel_loop3A_323 : vector<1x1x16xf32> to vector<16xf32>
        %parallel_loop3A_325 = vector.shape_cast %parallel_loop3A_319 : vector<16xf32> to vector<1x1x16xf32>
        tpu.vector_store %arg8[%parallel_loop3A_320, %parallel_loop3A_321, %parallel_loop3A_322], %parallel_loop3A_325 {add = true, strides = array<i32>} : memref<4x16x1024xf32, #tpu.memory_space<vmem>>, vector<1x1x16xf32>,
        %parallel_loop3A_326 = arith.index_cast %and3A_235 : i32 to index
        %parallel_loop3A_327 = arith.index_cast %parallel_loop3A_259 : i32 to index
        %parallel_loop3A_328 = arith.constant 96 : index
        %parallel_loop3A_329 = tpu.vector_load %arg7[%parallel_loop3A_326, %parallel_loop3A_327, %parallel_loop3A_328] {strides = array<i32>} : memref<2x16x1024xf32, #tpu.memory_space<vmem>>, vector<1x1x16xf32>,
        %parallel_loop3A_330 = vector.shape_cast %parallel_loop3A_329 : vector<1x1x16xf32> to vector<16xf32>
        %parallel_loop3A_331 = arith.index_cast %and3A_201 : i32 to index
        %parallel_loop3A_332 = arith.index_cast %parallel_loop3A_259 : i32 to index
        %parallel_loop3A_333 = arith.constant 96 : index
        %parallel_loop3A_334 = tpu.vector_load %arg8[%parallel_loop3A_331, %parallel_loop3A_332, %parallel_loop3A_333] {strides = array<i32>} : memref<4x16x1024xf32, #tpu.memory_space<vmem>>, vector<1x1x16xf32>,
        %parallel_loop3A_335 = vector.shape_cast %parallel_loop3A_334 : vector<1x1x16xf32> to vector<16xf32>
        %parallel_loop3A_336 = vector.shape_cast %parallel_loop3A_330 : vector<16xf32> to vector<1x1x16xf32>
        tpu.vector_store %arg8[%parallel_loop3A_331, %parallel_loop3A_332, %parallel_loop3A_333], %parallel_loop3A_336 {add = true, strides = array<i32>} : memref<4x16x1024xf32, #tpu.memory_space<vmem>>, vector<1x1x16xf32>,
        %parallel_loop3A_337 = arith.index_cast %and3A_235 : i32 to index
        %parallel_loop3A_338 = arith.index_cast %parallel_loop3A_259 : i32 to index
        %parallel_loop3A_339 = arith.constant 112 : index
        %parallel_loop3A_340 = tpu.vector_load %arg7[%parallel_loop3A_337, %parallel_loop3A_338, %parallel_loop3A_339] {strides = array<i32>} : memref<2x16x1024xf32, #tpu.memory_space<vmem>>, vector<1x1x16xf32>,
        %parallel_loop3A_341 = vector.shape_cast %parallel_loop3A_340 : vector<1x1x16xf32> to vector<16xf32>
        %parallel_loop3A_342 = arith.index_cast %and3A_201 : i32 to index
        %parallel_loop3A_343 = arith.index_cast %parallel_loop3A_259 : i32 to index
        %parallel_loop3A_344 = arith.constant 112 : index
        %parallel_loop3A_345 = tpu.vector_load %arg8[%parallel_loop3A_342, %parallel_loop3A_343, %parallel_loop3A_344] {strides = array<i32>} : memref<4x16x1024xf32, #tpu.memory_space<vmem>>, vector<1x1x16xf32>,
        %parallel_loop3A_346 = vector.shape_cast %parallel_loop3A_345 : vector<1x1x16xf32> to vector<16xf32>
        %parallel_loop3A_347 = vector.shape_cast %parallel_loop3A_341 : vector<16xf32> to vector<1x1x16xf32>
        tpu.vector_store %arg8[%parallel_loop3A_342, %parallel_loop3A_343, %parallel_loop3A_344], %parallel_loop3A_347 {add = true, strides = array<i32>} : memref<4x16x1024xf32, #tpu.memory_space<vmem>>, vector<1x1x16xf32>,
        %parallel_loop3A_348 = arith.index_cast %and3A_235 : i32 to index
        %parallel_loop3A_349 = arith.index_cast %parallel_loop3A_259 : i32 to index
        %parallel_loop3A_350 = arith.constant 128 : index
        %parallel_loop3A_351 = tpu.vector_load %arg7[%parallel_loop3A_348, %parallel_loop3A_349, %parallel_loop3A_350] {strides = array<i32>} : memref<2x16x1024xf32, #tpu.memory_space<vmem>>, vector<1x1x16xf32>,
        %parallel_loop3A_352 = vector.shape_cast %parallel_loop3A_351 : vector<1x1x16xf32> to vector<16xf32>
        %parallel_loop3A_353 = arith.index_cast %and3A_201 : i32 to index
        %parallel_loop3A_354 = arith.index_cast %parallel_loop3A_259 : i32 to index
        %parallel_loop3A_355 = arith.constant 128 : index
        %parallel_loop3A_356 = tpu.vector_load %arg8[%parallel_loop3A_353, %parallel_loop3A_354, %parallel_loop3A_355] {strides = array<i32>} : memref<4x16x1024xf32, #tpu.memory_space<vmem>>, vector<1x1x16xf32>,
        %parallel_loop3A_357 = vector.shape_cast %parallel_loop3A_356 : vector<1x1x16xf32> to vector<16xf32>
        %parallel_loop3A_358 = vector.shape_cast %parallel_loop3A_352 : vector<16xf32> to vector<1x1x16xf32>
        tpu.vector_store %arg8[%parallel_loop3A_353, %parallel_loop3A_354, %parallel_loop3A_355], %parallel_loop3A_358 {add = true, strides = array<i32>} : memref<4x16x1024xf32, #tpu.memory_space<vmem>>, vector<1x1x16xf32>,
        %parallel_loop3A_359 = arith.index_cast %and3A_235 : i32 to index
        %parallel_loop3A_360 = arith.index_cast %parallel_loop3A_259 : i32 to index
        %parallel_loop3A_361 = arith.constant 144 : index
        %parallel_loop3A_362 = tpu.vector_load %arg7[%parallel_loop3A_359, %parallel_loop3A_360, %parallel_loop3A_361] {strides = array<i32>} : memref<2x16x1024xf32, #tpu.memory_space<vmem>>, vector<1x1x16xf32>,
        %parallel_loop3A_363 = vector.shape_cast %parallel_loop3A_362 : vector<1x1x16xf32> to vector<16xf32>
        %parallel_loop3A_364 = arith.index_cast %and3A_201 : i32 to index
        %parallel_loop3A_365 = arith.index_cast %parallel_loop3A_259 : i32 to index
        %parallel_loop3A_366 = arith.constant 144 : index
        %parallel_loop3A_367 = tpu.vector_load %arg8[%parallel_loop3A_364, %parallel_loop3A_365, %parallel_loop3A_366] {strides = array<i32>} : memref<4x16x1024xf32, #tpu.memory_space<vmem>>, vector<1x1x16xf32>,
        %parallel_loop3A_368 = vector.shape_cast %parallel_loop3A_367 : vector<1x1x16xf32> to vector<16xf32>
        %parallel_loop3A_369 = vector.shape_cast %parallel_loop3A_363 : vector<16xf32> to vector<1x1x16xf32>
        tpu.vector_store %arg8[%parallel_loop3A_364, %parallel_loop3A_365, %parallel_loop3A_366], %parallel_loop3A_369 {add = true, strides = array<i32>} : memref<4x16x1024xf32, #tpu.memory_space<vmem>>, vector<1x1x16xf32>,
        %parallel_loop3A_370 = arith.index_cast %and3A_235 : i32 to index
        %parallel_loop3A_371 = arith.index_cast %parallel_loop3A_259 : i32 to index
        %parallel_loop3A_372 = arith.constant 160 : index
        %parallel_loop3A_373 = tpu.vector_load %arg7[%parallel_loop3A_370, %parallel_loop3A_371, %parallel_loop3A_372] {strides = array<i32>} : memref<2x16x1024xf32, #tpu.memory_space<vmem>>, vector<1x1x16xf32>,
        %parallel_loop3A_374 = vector.shape_cast %parallel_loop3A_373 : vector<1x1x16xf32> to vector<16xf32>
        %parallel_loop3A_375 = arith.index_cast %and3A_201 : i32 to index
        %parallel_loop3A_376 = arith.index_cast %parallel_loop3A_259 : i32 to index
        %parallel_loop3A_377 = arith.constant 160 : index
        %parallel_loop3A_378 = tpu.vector_load %arg8[%parallel_loop3A_375, %parallel_loop3A_376, %parallel_loop3A_377] {strides = array<i32>} : memref<4x16x1024xf32, #tpu.memory_space<vmem>>, vector<1x1x16xf32>,
        %parallel_loop3A_379 = vector.shape_cast %parallel_loop3A_378 : vector<1x1x16xf32> to vector<16xf32>
        %parallel_loop3A_380 = vector.shape_cast %parallel_loop3A_374 : vector<16xf32> to vector<1x1x16xf32>
        tpu.vector_store %arg8[%parallel_loop3A_375, %parallel_loop3A_376, %parallel_loop3A_377], %parallel_loop3A_380 {add = true, strides = array<i32>} : memref<4x16x1024xf32, #tpu.memory_space<vmem>>, vector<1x1x16xf32>,
        %parallel_loop3A_381 = arith.index_cast %and3A_235 : i32 to index
        %parallel_loop3A_382 = arith.index_cast %parallel_loop3A_259 : i32 to index
        %parallel_loop3A_383 = arith.constant 176 : index
        %parallel_loop3A_384 = tpu.vector_load %arg7[%parallel_loop3A_381, %parallel_loop3A_382, %parallel_loop3A_383] {strides = array<i32>} : memref<2x16x1024xf32, #tpu.memory_space<vmem>>, vector<1x1x16xf32>,
        %parallel_loop3A_385 = vector.shape_cast %parallel_loop3A_384 : vector<1x1x16xf32> to vector<16xf32>
        %parallel_loop3A_386 = arith.index_cast %and3A_201 : i32 to index
        %parallel_loop3A_387 = arith.index_cast %parallel_loop3A_259 : i32 to index
        %parallel_loop3A_388 = arith.constant 176 : index
        %parallel_loop3A_389 = tpu.vector_load %arg8[%parallel_loop3A_386, %parallel_loop3A_387, %parallel_loop3A_388] {strides = array<i32>} : memref<4x16x1024xf32, #tpu.memory_space<vmem>>, vector<1x1x16xf32>,
        %parallel_loop3A_390 = vector.shape_cast %parallel_loop3A_389 : vector<1x1x16xf32> to vector<16xf32>
        %parallel_loop3A_391 = vector.shape_cast %parallel_loop3A_385 : vector<16xf32> to vector<1x1x16xf32>
        tpu.vector_store %arg8[%parallel_loop3A_386, %parallel_loop3A_387, %parallel_loop3A_388], %parallel_loop3A_391 {add = true, strides = array<i32>} : memref<4x16x1024xf32, #tpu.memory_space<vmem>>, vector<1x1x16xf32>,
        %parallel_loop3A_392 = arith.index_cast %and3A_235 : i32 to index
        %parallel_loop3A_393 = arith.index_cast %parallel_loop3A_259 : i32 to index
        %parallel_loop3A_394 = arith.constant 192 : index
        %parallel_loop3A_395 = tpu.vector_load %arg7[%parallel_loop3A_392, %parallel_loop3A_393, %parallel_loop3A_394] {strides = array<i32>} : memref<2x16x1024xf32, #tpu.memory_space<vmem>>, vector<1x1x16xf32>,
        %parallel_loop3A_396 = vector.shape_cast %parallel_loop3A_395 : vector<1x1x16xf32> to vector<16xf32>
        %parallel_loop3A_397 = arith.index_cast %and3A_201 : i32 to index
        %parallel_loop3A_398 = arith.index_cast %parallel_loop3A_259 : i32 to index
        %parallel_loop3A_399 = arith.constant 192 : index
        %parallel_loop3A_400 = tpu.vector_load %arg8[%parallel_loop3A_397, %parallel_loop3A_398, %parallel_loop3A_399] {strides = array<i32>} : memref<4x16x1024xf32, #tpu.memory_space<vmem>>, vector<1x1x16xf32>,
        %parallel_loop3A_401 = vector.shape_cast %parallel_loop3A_400 : vector<1x1x16xf32> to vector<16xf32>
        %parallel_loop3A_402 = vector.shape_cast %parallel_loop3A_396 : vector<16xf32> to vector<1x1x16xf32>
        tpu.vector_store %arg8[%parallel_loop3A_397, %parallel_loop3A_398, %parallel_loop3A_399], %parallel_loop3A_402 {add = true, strides = array<i32>} : memref<4x16x1024xf32, #tpu.memory_space<vmem>>, vector<1x1x16xf32>,
        %parallel_loop3A_403 = arith.index_cast %and3A_235 : i32 to index
        %parallel_loop3A_404 = arith.index_cast %parallel_loop3A_259 : i32 to index
        %parallel_loop3A_405 = arith.constant 208 : index
        %parallel_loop3A_406 = tpu.vector_load %arg7[%parallel_loop3A_403, %parallel_loop3A_404, %parallel_loop3A_405] {strides = array<i32>} : memref<2x16x1024xf32, #tpu.memory_space<vmem>>, vector<1x1x16xf32>,
        %parallel_loop3A_407 = vector.shape_cast %parallel_loop3A_406 : vector<1x1x16xf32> to vector<16xf32>
        %parallel_loop3A_408 = arith.index_cast %and3A_201 : i32 to index
        %parallel_loop3A_409 = arith.index_cast %parallel_loop3A_259 : i32 to index
        %parallel_loop3A_410 = arith.constant 208 : index
        %parallel_loop3A_411 = tpu.vector_load %arg8[%parallel_loop3A_408, %parallel_loop3A_409, %parallel_loop3A_410] {strides = array<i32>} : memref<4x16x1024xf32, #tpu.memory_space<vmem>>, vector<1x1x16xf32>,
        %parallel_loop3A_412 = vector.shape_cast %parallel_loop3A_411 : vector<1x1x16xf32> to vector<16xf32>
        %parallel_loop3A_413 = vector.shape_cast %parallel_loop3A_407 : vector<16xf32> to vector<1x1x16xf32>
        tpu.vector_store %arg8[%parallel_loop3A_408, %parallel_loop3A_409, %parallel_loop3A_410], %parallel_loop3A_413 {add = true, strides = array<i32>} : memref<4x16x1024xf32, #tpu.memory_space<vmem>>, vector<1x1x16xf32>,
        %parallel_loop3A_414 = arith.index_cast %and3A_235 : i32 to index
        %parallel_loop3A_415 = arith.index_cast %parallel_loop3A_259 : i32 to index
        %parallel_loop3A_416 = arith.constant 224 : index
        %parallel_loop3A_417 = tpu.vector_load %arg7[%parallel_loop3A_414, %parallel_loop3A_415, %parallel_loop3A_416] {strides = array<i32>} : memref<2x16x1024xf32, #tpu.memory_space<vmem>>, vector<1x1x16xf32>,
        %parallel_loop3A_418 = vector.shape_cast %parallel_loop3A_417 : vector<1x1x16xf32> to vector<16xf32>
        %parallel_loop3A_419 = arith.index_cast %and3A_201 : i32 to index
        %parallel_loop3A_420 = arith.index_cast %parallel_loop3A_259 : i32 to index
        %parallel_loop3A_421 = arith.constant 224 : index
        %parallel_loop3A_422 = tpu.vector_load %arg8[%parallel_loop3A_419, %parallel_loop3A_420, %parallel_loop3A_421] {strides = array<i32>} : memref<4x16x1024xf32, #tpu.memory_space<vmem>>, vector<1x1x16xf32>,
        %parallel_loop3A_423 = vector.shape_cast %parallel_loop3A_422 : vector<1x1x16xf32> to vector<16xf32>
        %parallel_loop3A_424 = vector.shape_cast %parallel_loop3A_418 : vector<16xf32> to vector<1x1x16xf32>
        tpu.vector_store %arg8[%parallel_loop3A_419, %parallel_loop3A_420, %parallel_loop3A_421], %parallel_loop3A_424 {add = true, strides = array<i32>} : memref<4x16x1024xf32, #tpu.memory_space<vmem>>, vector<1x1x16xf32>,
        %parallel_loop3A_425 = arith.index_cast %and3A_235 : i32 to index
        %parallel_loop3A_426 = arith.index_cast %parallel_loop3A_259 : i32 to index
        %parallel_loop3A_427 = arith.constant 240 : index
        %parallel_loop3A_428 = tpu.vector_load %arg7[%parallel_loop3A_425, %parallel_loop3A_426, %parallel_loop3A_427] {strides = array<i32>} : memref<2x16x1024xf32, #tpu.memory_space<vmem>>, vector<1x1x16xf32>,
        %parallel_loop3A_429 = vector.shape_cast %parallel_loop3A_428 : vector<1x1x16xf32> to vector<16xf32>
        %parallel_loop3A_430 = arith.index_cast %and3A_201 : i32 to index
        %parallel_loop3A_431 = arith.index_cast %parallel_loop3A_259 : i32 to index
        %parallel_loop3A_432 = arith.constant 240 : index
        %parallel_loop3A_433 = tpu.vector_load %arg8[%parallel_loop3A_430, %parallel_loop3A_431, %parallel_loop3A_432] {strides = array<i32>} : memref<4x16x1024xf32, #tpu.memory_space<vmem>>, vector<1x1x16xf32>,
        %parallel_loop3A_434 = vector.shape_cast %parallel_loop3A_433 : vector<1x1x16xf32> to vector<16xf32>
        %parallel_loop3A_435 = vector.shape_cast %parallel_loop3A_429 : vector<16xf32> to vector<1x1x16xf32>
        tpu.vector_store %arg8[%parallel_loop3A_430, %parallel_loop3A_431, %parallel_loop3A_432], %parallel_loop3A_435 {add = true, strides = array<i32>} : memref<4x16x1024xf32, #tpu.memory_space<vmem>>, vector<1x1x16xf32>,
        %parallel_loop3A_436 = arith.index_cast %and3A_235 : i32 to index
        %parallel_loop3A_437 = arith.index_cast %parallel_loop3A_259 : i32 to index
        %parallel_loop3A_438 = arith.constant 256 : index
        %parallel_loop3A_439 = tpu.vector_load %arg7[%parallel_loop3A_436, %parallel_loop3A_437, %parallel_loop3A_438] {strides = array<i32>} : memref<2x16x1024xf32, #tpu.memory_space<vmem>>, vector<1x1x16xf32>,
        %parallel_loop3A_440 = vector.shape_cast %parallel_loop3A_439 : vector<1x1x16xf32> to vector<16xf32>
        %parallel_loop3A_441 = arith.index_cast %and3A_201 : i32 to index
        %parallel_loop3A_442 = arith.index_cast %parallel_loop3A_259 : i32 to index
        %parallel_loop3A_443 = arith.constant 256 : index
        %parallel_loop3A_444 = tpu.vector_load %arg8[%parallel_loop3A_441, %parallel_loop3A_442, %parallel_loop3A_443] {strides = array<i32>} : memref<4x16x1024xf32, #tpu.memory_space<vmem>>, vector<1x1x16xf32>,
        %parallel_loop3A_445 = vector.shape_cast %parallel_loop3A_444 : vector<1x1x16xf32> to vector<16xf32>
        %parallel_loop3A_446 = vector.shape_cast %parallel_loop3A_440 : vector<16xf32> to vector<1x1x16xf32>
        tpu.vector_store %arg8[%parallel_loop3A_441, %parallel_loop3A_442, %parallel_loop3A_443], %parallel_loop3A_446 {add = true, strides = array<i32>} : memref<4x16x1024xf32, #tpu.memory_space<vmem>>, vector<1x1x16xf32>,
        %parallel_loop3A_447 = arith.index_cast %and3A_235 : i32 to index
        %parallel_loop3A_448 = arith.index_cast %parallel_loop3A_259 : i32 to index
        %parallel_loop3A_449 = arith.constant 272 : index
        %parallel_loop3A_450 = tpu.vector_load %arg7[%parallel_loop3A_447, %parallel_loop3A_448, %parallel_loop3A_449] {strides = array<i32>} : memref<2x16x1024xf32, #tpu.memory_space<vmem>>, vector<1x1x16xf32>,
        %parallel_loop3A_451 = vector.shape_cast %parallel_loop3A_450 : vector<1x1x16xf32> to vector<16xf32>
        %parallel_loop3A_452 = arith.index_cast %and3A_201 : i32 to index
        %parallel_loop3A_453 = arith.index_cast %parallel_loop3A_259 : i32 to index
        %parallel_loop3A_454 = arith.constant 272 : index
        %parallel_loop3A_455 = tpu.vector_load %arg8[%parallel_loop3A_452, %parallel_loop3A_453, %parallel_loop3A_454] {strides = array<i32>} : memref<4x16x1024xf32, #tpu.memory_space<vmem>>, vector<1x1x16xf32>,
        %parallel_loop3A_456 = vector.shape_cast %parallel_loop3A_455 : vector<1x1x16xf32> to vector<16xf32>
        %parallel_loop3A_457 = vector.shape_cast %parallel_loop3A_451 : vector<16xf32> to vector<1x1x16xf32>
        tpu.vector_store %arg8[%parallel_loop3A_452, %parallel_loop3A_453, %parallel_loop3A_454], %parallel_loop3A_457 {add = true, strides = array<i32>} : memref<4x16x1024xf32, #tpu.memory_space<vmem>>, vector<1x1x16xf32>,
        %parallel_loop3A_458 = arith.index_cast %and3A_235 : i32 to index
        %parallel_loop3A_459 = arith.index_cast %parallel_loop3A_259 : i32 to index
        %parallel_loop3A_460 = arith.constant 288 : index
        %parallel_loop3A_461 = tpu.vector_load %arg7[%parallel_loop3A_458, %parallel_loop3A_459, %parallel_loop3A_460] {strides = array<i32>} : memref<2x16x1024xf32, #tpu.memory_space<vmem>>, vector<1x1x16xf32>,
        %parallel_loop3A_462 = vector.shape_cast %parallel_loop3A_461 : vector<1x1x16xf32> to vector<16xf32>
        %parallel_loop3A_463 = arith.index_cast %and3A_201 : i32 to index
        %parallel_loop3A_464 = arith.index_cast %parallel_loop3A_259 : i32 to index
        %parallel_loop3A_465 = arith.constant 288 : index
        %parallel_loop3A_466 = tpu.vector_load %arg8[%parallel_loop3A_463, %parallel_loop3A_464, %parallel_loop3A_465] {strides = array<i32>} : memref<4x16x1024xf32, #tpu.memory_space<vmem>>, vector<1x1x16xf32>,
        %parallel_loop3A_467 = vector.shape_cast %parallel_loop3A_466 : vector<1x1x16xf32> to vector<16xf32>
        %parallel_loop3A_468 = vector.shape_cast %parallel_loop3A_462 : vector<16xf32> to vector<1x1x16xf32>
        tpu.vector_store %arg8[%parallel_loop3A_463, %parallel_loop3A_464, %parallel_loop3A_465], %parallel_loop3A_468 {add = true, strides = array<i32>} : memref<4x16x1024xf32, #tpu.memory_space<vmem>>, vector<1x1x16xf32>,
        %parallel_loop3A_469 = arith.index_cast %and3A_235 : i32 to index
        %parallel_loop3A_470 = arith.index_cast %parallel_loop3A_259 : i32 to index
        %parallel_loop3A_471 = arith.constant 304 : index
        %parallel_loop3A_472 = tpu.vector_load %arg7[%parallel_loop3A_469, %parallel_loop3A_470, %parallel_loop3A_471] {strides = array<i32>} : memref<2x16x1024xf32, #tpu.memory_space<vmem>>, vector<1x1x16xf32>,
        %parallel_loop3A_473 = vector.shape_cast %parallel_loop3A_472 : vector<1x1x16xf32> to vector<16xf32>
        %parallel_loop3A_474 = arith.index_cast %and3A_201 : i32 to index
        %parallel_loop3A_475 = arith.index_cast %parallel_loop3A_259 : i32 to index
        %parallel_loop3A_476 = arith.constant 304 : index
        %parallel_loop3A_477 = tpu.vector_load %arg8[%parallel_loop3A_474, %parallel_loop3A_475, %parallel_loop3A_476] {strides = array<i32>} : memref<4x16x1024xf32, #tpu.memory_space<vmem>>, vector<1x1x16xf32>,
        %parallel_loop3A_478 = vector.shape_cast %parallel_loop3A_477 : vector<1x1x16xf32> to vector<16xf32>
        %parallel_loop3A_479 = vector.shape_cast %parallel_loop3A_473 : vector<16xf32> to vector<1x1x16xf32>
        tpu.vector_store %arg8[%parallel_loop3A_474, %parallel_loop3A_475, %parallel_loop3A_476], %parallel_loop3A_479 {add = true, strides = array<i32>} : memref<4x16x1024xf32, #tpu.memory_space<vmem>>, vector<1x1x16xf32>,
        %parallel_loop3A_480 = arith.index_cast %and3A_235 : i32 to index
        %parallel_loop3A_481 = arith.index_cast %parallel_loop3A_259 : i32 to index
        %parallel_loop3A_482 = arith.constant 320 : index
        %parallel_loop3A_483 = tpu.vector_load %arg7[%parallel_loop3A_480, %parallel_loop3A_481, %parallel_loop3A_482] {strides = array<i32>} : memref<2x16x1024xf32, #tpu.memory_space<vmem>>, vector<1x1x16xf32>,
        %parallel_loop3A_484 = vector.shape_cast %parallel_loop3A_483 : vector<1x1x16xf32> to vector<16xf32>
        %parallel_loop3A_485 = arith.index_cast %and3A_201 : i32 to index
        %parallel_loop3A_486 = arith.index_cast %parallel_loop3A_259 : i32 to index
        %parallel_loop3A_487 = arith.constant 320 : index
        %parallel_loop3A_488 = tpu.vector_load %arg8[%parallel_loop3A_485, %parallel_loop3A_486, %parallel_loop3A_487] {strides = array<i32>} : memref<4x16x1024xf32, #tpu.memory_space<vmem>>, vector<1x1x16xf32>,
        %parallel_loop3A_489 = vector.shape_cast %parallel_loop3A_488 : vector<1x1x16xf32> to vector<16xf32>
        %parallel_loop3A_490 = vector.shape_cast %parallel_loop3A_484 : vector<16xf32> to vector<1x1x16xf32>
        tpu.vector_store %arg8[%parallel_loop3A_485, %parallel_loop3A_486, %parallel_loop3A_487], %parallel_loop3A_490 {add = true, strides = array<i32>} : memref<4x16x1024xf32, #tpu.memory_space<vmem>>, vector<1x1x16xf32>,
        %parallel_loop3A_491 = arith.index_cast %and3A_235 : i32 to index
        %parallel_loop3A_492 = arith.index_cast %parallel_loop3A_259 : i32 to index
        %parallel_loop3A_493 = arith.constant 336 : index
        %parallel_loop3A_494 = tpu.vector_load %arg7[%parallel_loop3A_491, %parallel_loop3A_492, %parallel_loop3A_493] {strides = array<i32>} : memref<2x16x1024xf32, #tpu.memory_space<vmem>>, vector<1x1x16xf32>,
        %parallel_loop3A_495 = vector.shape_cast %parallel_loop3A_494 : vector<1x1x16xf32> to vector<16xf32>
        %parallel_loop3A_496 = arith.index_cast %and3A_201 : i32 to index
        %parallel_loop3A_497 = arith.index_cast %parallel_loop3A_259 : i32 to index
        %parallel_loop3A_498 = arith.constant 336 : index
        %parallel_loop3A_499 = tpu.vector_load %arg8[%parallel_loop3A_496, %parallel_loop3A_497, %parallel_loop3A_498] {strides = array<i32>} : memref<4x16x1024xf32, #tpu.memory_space<vmem>>, vector<1x1x16xf32>,
        %parallel_loop3A_500 = vector.shape_cast %parallel_loop3A_499 : vector<1x1x16xf32> to vector<16xf32>
        %parallel_loop3A_501 = vector.shape_cast %parallel_loop3A_495 : vector<16xf32> to vector<1x1x16xf32>
        tpu.vector_store %arg8[%parallel_loop3A_496, %parallel_loop3A_497, %parallel_loop3A_498], %parallel_loop3A_501 {add = true, strides = array<i32>} : memref<4x16x1024xf32, #tpu.memory_space<vmem>>, vector<1x1x16xf32>,
        %parallel_loop3A_502 = arith.index_cast %and3A_235 : i32 to index
        %parallel_loop3A_503 = arith.index_cast %parallel_loop3A_259 : i32 to index
        %parallel_loop3A_504 = arith.constant 352 : index
        %parallel_loop3A_505 = tpu.vector_load %arg7[%parallel_loop3A_502, %parallel_loop3A_503, %parallel_loop3A_504] {strides = array<i32>} : memref<2x16x1024xf32, #tpu.memory_space<vmem>>, vector<1x1x16xf32>,
        %parallel_loop3A_506 = vector.shape_cast %parallel_loop3A_505 : vector<1x1x16xf32> to vector<16xf32>
        %parallel_loop3A_507 = arith.index_cast %and3A_201 : i32 to index
        %parallel_loop3A_508 = arith.index_cast %parallel_loop3A_259 : i32 to index
        %parallel_loop3A_509 = arith.constant 352 : index
        %parallel_loop3A_510 = tpu.vector_load %arg8[%parallel_loop3A_507, %parallel_loop3A_508, %parallel_loop3A_509] {strides = array<i32>} : memref<4x16x1024xf32, #tpu.memory_space<vmem>>, vector<1x1x16xf32>,
        %parallel_loop3A_511 = vector.shape_cast %parallel_loop3A_510 : vector<1x1x16xf32> to vector<16xf32>
        %parallel_loop3A_512 = vector.shape_cast %parallel_loop3A_506 : vector<16xf32> to vector<1x1x16xf32>
        tpu.vector_store %arg8[%parallel_loop3A_507, %parallel_loop3A_508, %parallel_loop3A_509], %parallel_loop3A_512 {add = true, strides = array<i32>} : memref<4x16x1024xf32, #tpu.memory_space<vmem>>, vector<1x1x16xf32>,
        %parallel_loop3A_513 = arith.index_cast %and3A_235 : i32 to index
        %parallel_loop3A_514 = arith.index_cast %parallel_loop3A_259 : i32 to index
        %parallel_loop3A_515 = arith.constant 368 : index
        %parallel_loop3A_516 = tpu.vector_load %arg7[%parallel_loop3A_513, %parallel_loop3A_514, %parallel_loop3A_515] {strides = array<i32>} : memref<2x16x1024xf32, #tpu.memory_space<vmem>>, vector<1x1x16xf32>,
        %parallel_loop3A_517 = vector.shape_cast %parallel_loop3A_516 : vector<1x1x16xf32> to vector<16xf32>
        %parallel_loop3A_518 = arith.index_cast %and3A_201 : i32 to index
        %parallel_loop3A_519 = arith.index_cast %parallel_loop3A_259 : i32 to index
        %parallel_loop3A_520 = arith.constant 368 : index
        %parallel_loop3A_521 = tpu.vector_load %arg8[%parallel_loop3A_518, %parallel_loop3A_519, %parallel_loop3A_520] {strides = array<i32>} : memref<4x16x1024xf32, #tpu.memory_space<vmem>>, vector<1x1x16xf32>,
        %parallel_loop3A_522 = vector.shape_cast %parallel_loop3A_521 : vector<1x1x16xf32> to vector<16xf32>
        %parallel_loop3A_523 = vector.shape_cast %parallel_loop3A_517 : vector<16xf32> to vector<1x1x16xf32>
        tpu.vector_store %arg8[%parallel_loop3A_518, %parallel_loop3A_519, %parallel_loop3A_520], %parallel_loop3A_523 {add = true, strides = array<i32>} : memref<4x16x1024xf32, #tpu.memory_space<vmem>>, vector<1x1x16xf32>,
        %parallel_loop3A_524 = arith.index_cast %and3A_235 : i32 to index
        %parallel_loop3A_525 = arith.index_cast %parallel_loop3A_259 : i32 to index
        %parallel_loop3A_526 = arith.constant 384 : index
        %parallel_loop3A_527 = tpu.vector_load %arg7[%parallel_loop3A_524, %parallel_loop3A_525, %parallel_loop3A_526] {strides = array<i32>} : memref<2x16x1024xf32, #tpu.memory_space<vmem>>, vector<1x1x16xf32>,
        %parallel_loop3A_528 = vector.shape_cast %parallel_loop3A_527 : vector<1x1x16xf32> to vector<16xf32>
        %parallel_loop3A_529 = arith.index_cast %and3A_201 : i32 to index
        %parallel_loop3A_530 = arith.index_cast %parallel_loop3A_259 : i32 to index
        %parallel_loop3A_531 = arith.constant 384 : index
        %parallel_loop3A_532 = tpu.vector_load %arg8[%parallel_loop3A_529, %parallel_loop3A_530, %parallel_loop3A_531] {strides = array<i32>} : memref<4x16x1024xf32, #tpu.memory_space<vmem>>, vector<1x1x16xf32>,
        %parallel_loop3A_533 = vector.shape_cast %parallel_loop3A_532 : vector<1x1x16xf32> to vector<16xf32>
        %parallel_loop3A_534 = vector.shape_cast %parallel_loop3A_528 : vector<16xf32> to vector<1x1x16xf32>
        tpu.vector_store %arg8[%parallel_loop3A_529, %parallel_loop3A_530, %parallel_loop3A_531], %parallel_loop3A_534 {add = true, strides = array<i32>} : memref<4x16x1024xf32, #tpu.memory_space<vmem>>, vector<1x1x16xf32>,
        %parallel_loop3A_535 = arith.index_cast %and3A_235 : i32 to index
        %parallel_loop3A_536 = arith.index_cast %parallel_loop3A_259 : i32 to index
        %parallel_loop3A_537 = arith.constant 400 : index
        %parallel_loop3A_538 = tpu.vector_load %arg7[%parallel_loop3A_535, %parallel_loop3A_536, %parallel_loop3A_537] {strides = array<i32>} : memref<2x16x1024xf32, #tpu.memory_space<vmem>>, vector<1x1x16xf32>,
        %parallel_loop3A_539 = vector.shape_cast %parallel_loop3A_538 : vector<1x1x16xf32> to vector<16xf32>
        %parallel_loop3A_540 = arith.index_cast %and3A_201 : i32 to index
        %parallel_loop3A_541 = arith.index_cast %parallel_loop3A_259 : i32 to index
        %parallel_loop3A_542 = arith.constant 400 : index
        %parallel_loop3A_543 = tpu.vector_load %arg8[%parallel_loop3A_540, %parallel_loop3A_541, %parallel_loop3A_542] {strides = array<i32>} : memref<4x16x1024xf32, #tpu.memory_space<vmem>>, vector<1x1x16xf32>,
        %parallel_loop3A_544 = vector.shape_cast %parallel_loop3A_543 : vector<1x1x16xf32> to vector<16xf32>
        %parallel_loop3A_545 = vector.shape_cast %parallel_loop3A_539 : vector<16xf32> to vector<1x1x16xf32>
        tpu.vector_store %arg8[%parallel_loop3A_540, %parallel_loop3A_541, %parallel_loop3A_542], %parallel_loop3A_545 {add = true, strides = array<i32>} : memref<4x16x1024xf32, #tpu.memory_space<vmem>>, vector<1x1x16xf32>,
        %parallel_loop3A_546 = arith.index_cast %and3A_235 : i32 to index
        %parallel_loop3A_547 = arith.index_cast %parallel_loop3A_259 : i32 to index
        %parallel_loop3A_548 = arith.constant 416 : index
        %parallel_loop3A_549 = tpu.vector_load %arg7[%parallel_loop3A_546, %parallel_loop3A_547, %parallel_loop3A_548] {strides = array<i32>} : memref<2x16x1024xf32, #tpu.memory_space<vmem>>, vector<1x1x16xf32>,
        %parallel_loop3A_550 = vector.shape_cast %parallel_loop3A_549 : vector<1x1x16xf32> to vector<16xf32>
        %parallel_loop3A_551 = arith.index_cast %and3A_201 : i32 to index
        %parallel_loop3A_552 = arith.index_cast %parallel_loop3A_259 : i32 to index
        %parallel_loop3A_553 = arith.constant 416 : index
        %parallel_loop3A_554 = tpu.vector_load %arg8[%parallel_loop3A_551, %parallel_loop3A_552, %parallel_loop3A_553] {strides = array<i32>} : memref<4x16x1024xf32, #tpu.memory_space<vmem>>, vector<1x1x16xf32>,
        %parallel_loop3A_555 = vector.shape_cast %parallel_loop3A_554 : vector<1x1x16xf32> to vector<16xf32>
        %parallel_loop3A_556 = vector.shape_cast %parallel_loop3A_550 : vector<16xf32> to vector<1x1x16xf32>
        tpu.vector_store %arg8[%parallel_loop3A_551, %parallel_loop3A_552, %parallel_loop3A_553], %parallel_loop3A_556 {add = true, strides = array<i32>} : memref<4x16x1024xf32, #tpu.memory_space<vmem>>, vector<1x1x16xf32>,
        %parallel_loop3A_557 = arith.index_cast %and3A_235 : i32 to index
        %parallel_loop3A_558 = arith.index_cast %parallel_loop3A_259 : i32 to index
        %parallel_loop3A_559 = arith.constant 432 : index
        %parallel_loop3A_560 = tpu.vector_load %arg7[%parallel_loop3A_557, %parallel_loop3A_558, %parallel_loop3A_559] {strides = array<i32>} : memref<2x16x1024xf32, #tpu.memory_space<vmem>>, vector<1x1x16xf32>,
        %parallel_loop3A_561 = vector.shape_cast %parallel_loop3A_560 : vector<1x1x16xf32> to vector<16xf32>
        %parallel_loop3A_562 = arith.index_cast %and3A_201 : i32 to index
        %parallel_loop3A_563 = arith.index_cast %parallel_loop3A_259 : i32 to index
        %parallel_loop3A_564 = arith.constant 432 : index
        %parallel_loop3A_565 = tpu.vector_load %arg8[%parallel_loop3A_562, %parallel_loop3A_563, %parallel_loop3A_564] {strides = array<i32>} : memref<4x16x1024xf32, #tpu.memory_space<vmem>>, vector<1x1x16xf32>,
        %parallel_loop3A_566 = vector.shape_cast %parallel_loop3A_565 : vector<1x1x16xf32> to vector<16xf32>
        %parallel_loop3A_567 = vector.shape_cast %parallel_loop3A_561 : vector<16xf32> to vector<1x1x16xf32>
        tpu.vector_store %arg8[%parallel_loop3A_562, %parallel_loop3A_563, %parallel_loop3A_564], %parallel_loop3A_567 {add = true, strides = array<i32>} : memref<4x16x1024xf32, #tpu.memory_space<vmem>>, vector<1x1x16xf32>,
        %parallel_loop3A_568 = arith.index_cast %and3A_235 : i32 to index
        %parallel_loop3A_569 = arith.index_cast %parallel_loop3A_259 : i32 to index
        %parallel_loop3A_570 = arith.constant 448 : index
        %parallel_loop3A_571 = tpu.vector_load %arg7[%parallel_loop3A_568, %parallel_loop3A_569, %parallel_loop3A_570] {strides = array<i32>} : memref<2x16x1024xf32, #tpu.memory_space<vmem>>, vector<1x1x16xf32>,
        %parallel_loop3A_572 = vector.shape_cast %parallel_loop3A_571 : vector<1x1x16xf32> to vector<16xf32>
        %parallel_loop3A_573 = arith.index_cast %and3A_201 : i32 to index
        %parallel_loop3A_574 = arith.index_cast %parallel_loop3A_259 : i32 to index
        %parallel_loop3A_575 = arith.constant 448 : index
        %parallel_loop3A_576 = tpu.vector_load %arg8[%parallel_loop3A_573, %parallel_loop3A_574, %parallel_loop3A_575] {strides = array<i32>} : memref<4x16x1024xf32, #tpu.memory_space<vmem>>, vector<1x1x16xf32>,
        %parallel_loop3A_577 = vector.shape_cast %parallel_loop3A_576 : vector<1x1x16xf32> to vector<16xf32>
        %parallel_loop3A_578 = vector.shape_cast %parallel_loop3A_572 : vector<16xf32> to vector<1x1x16xf32>
        tpu.vector_store %arg8[%parallel_loop3A_573, %parallel_loop3A_574, %parallel_loop3A_575], %parallel_loop3A_578 {add = true, strides = array<i32>} : memref<4x16x1024xf32, #tpu.memory_space<vmem>>, vector<1x1x16xf32>,
        %parallel_loop3A_579 = arith.index_cast %and3A_235 : i32 to index
        %parallel_loop3A_580 = arith.index_cast %parallel_loop3A_259 : i32 to index
        %parallel_loop3A_581 = arith.constant 464 : index
        %parallel_loop3A_582 = tpu.vector_load %arg7[%parallel_loop3A_579, %parallel_loop3A_580, %parallel_loop3A_581] {strides = array<i32>} : memref<2x16x1024xf32, #tpu.memory_space<vmem>>, vector<1x1x16xf32>,
        %parallel_loop3A_583 = vector.shape_cast %parallel_loop3A_582 : vector<1x1x16xf32> to vector<16xf32>
        %parallel_loop3A_584 = arith.index_cast %and3A_201 : i32 to index
        %parallel_loop3A_585 = arith.index_cast %parallel_loop3A_259 : i32 to index
        %parallel_loop3A_586 = arith.constant 464 : index
        %parallel_loop3A_587 = tpu.vector_load %arg8[%parallel_loop3A_584, %parallel_loop3A_585, %parallel_loop3A_586] {strides = array<i32>} : memref<4x16x1024xf32, #tpu.memory_space<vmem>>, vector<1x1x16xf32>,
        %parallel_loop3A_588 = vector.shape_cast %parallel_loop3A_587 : vector<1x1x16xf32> to vector<16xf32>
        %parallel_loop3A_589 = vector.shape_cast %parallel_loop3A_583 : vector<16xf32> to vector<1x1x16xf32>
        tpu.vector_store %arg8[%parallel_loop3A_584, %parallel_loop3A_585, %parallel_loop3A_586], %parallel_loop3A_589 {add = true, strides = array<i32>} : memref<4x16x1024xf32, #tpu.memory_space<vmem>>, vector<1x1x16xf32>,
        %parallel_loop3A_590 = arith.index_cast %and3A_235 : i32 to index
        %parallel_loop3A_591 = arith.index_cast %parallel_loop3A_259 : i32 to index
        %parallel_loop3A_592 = arith.constant 480 : index
        %parallel_loop3A_593 = tpu.vector_load %arg7[%parallel_loop3A_590, %parallel_loop3A_591, %parallel_loop3A_592] {strides = array<i32>} : memref<2x16x1024xf32, #tpu.memory_space<vmem>>, vector<1x1x16xf32>,
        %parallel_loop3A_594 = vector.shape_cast %parallel_loop3A_593 : vector<1x1x16xf32> to vector<16xf32>
        %parallel_loop3A_595 = arith.index_cast %and3A_201 : i32 to index
        %parallel_loop3A_596 = arith.index_cast %parallel_loop3A_259 : i32 to index
        %parallel_loop3A_597 = arith.constant 480 : index
        %parallel_loop3A_598 = tpu.vector_load %arg8[%parallel_loop3A_595, %parallel_loop3A_596, %parallel_loop3A_597] {strides = array<i32>} : memref<4x16x1024xf32, #tpu.memory_space<vmem>>, vector<1x1x16xf32>,
        %parallel_loop3A_599 = vector.shape_cast %parallel_loop3A_598 : vector<1x1x16xf32> to vector<16xf32>
        %parallel_loop3A_600 = vector.shape_cast %parallel_loop3A_594 : vector<16xf32> to vector<1x1x16xf32>
        tpu.vector_store %arg8[%parallel_loop3A_595, %parallel_loop3A_596, %parallel_loop3A_597], %parallel_loop3A_600 {add = true, strides = array<i32>} : memref<4x16x1024xf32, #tpu.memory_space<vmem>>, vector<1x1x16xf32>,
        %parallel_loop3A_601 = arith.index_cast %and3A_235 : i32 to index
        %parallel_loop3A_602 = arith.index_cast %parallel_loop3A_259 : i32 to index
        %parallel_loop3A_603 = arith.constant 496 : index
        %parallel_loop3A_604 = tpu.vector_load %arg7[%parallel_loop3A_601, %parallel_loop3A_602, %parallel_loop3A_603] {strides = array<i32>} : memref<2x16x1024xf32, #tpu.memory_space<vmem>>, vector<1x1x16xf32>,
        %parallel_loop3A_605 = vector.shape_cast %parallel_loop3A_604 : vector<1x1x16xf32> to vector<16xf32>
        %parallel_loop3A_606 = arith.index_cast %and3A_201 : i32 to index
        %parallel_loop3A_607 = arith.index_cast %parallel_loop3A_259 : i32 to index
        %parallel_loop3A_608 = arith.constant 496 : index
        %parallel_loop3A_609 = tpu.vector_load %arg8[%parallel_loop3A_606, %parallel_loop3A_607, %parallel_loop3A_608] {strides = array<i32>} : memref<4x16x1024xf32, #tpu.memory_space<vmem>>, vector<1x1x16xf32>,
        %parallel_loop3A_610 = vector.shape_cast %parallel_loop3A_609 : vector<1x1x16xf32> to vector<16xf32>
        %parallel_loop3A_611 = vector.shape_cast %parallel_loop3A_605 : vector<16xf32> to vector<1x1x16xf32>
        tpu.vector_store %arg8[%parallel_loop3A_606, %parallel_loop3A_607, %parallel_loop3A_608], %parallel_loop3A_611 {add = true, strides = array<i32>} : memref<4x16x1024xf32, #tpu.memory_space<vmem>>, vector<1x1x16xf32>,
        %parallel_loop3A_612 = arith.index_cast %and3A_235 : i32 to index
        %parallel_loop3A_613 = arith.index_cast %parallel_loop3A_259 : i32 to index
        %parallel_loop3A_614 = arith.constant 512 : index
        %parallel_loop3A_615 = tpu.vector_load %arg7[%parallel_loop3A_612, %parallel_loop3A_613, %parallel_loop3A_614] {strides = array<i32>} : memref<2x16x1024xf32, #tpu.memory_space<vmem>>, vector<1x1x16xf32>,
        %parallel_loop3A_616 = vector.shape_cast %parallel_loop3A_615 : vector<1x1x16xf32> to vector<16xf32>
        %parallel_loop3A_617 = arith.index_cast %and3A_201 : i32 to index
        %parallel_loop3A_618 = arith.index_cast %parallel_loop3A_259 : i32 to index
        %parallel_loop3A_619 = arith.constant 512 : index
        %parallel_loop3A_620 = tpu.vector_load %arg8[%parallel_loop3A_617, %parallel_loop3A_618, %parallel_loop3A_619] {strides = array<i32>} : memref<4x16x1024xf32, #tpu.memory_space<vmem>>, vector<1x1x16xf32>,
        %parallel_loop3A_621 = vector.shape_cast %parallel_loop3A_620 : vector<1x1x16xf32> to vector<16xf32>
        %parallel_loop3A_622 = vector.shape_cast %parallel_loop3A_616 : vector<16xf32> to vector<1x1x16xf32>
        tpu.vector_store %arg8[%parallel_loop3A_617, %parallel_loop3A_618, %parallel_loop3A_619], %parallel_loop3A_622 {add = true, strides = array<i32>} : memref<4x16x1024xf32, #tpu.memory_space<vmem>>, vector<1x1x16xf32>,
        %parallel_loop3A_623 = arith.index_cast %and3A_235 : i32 to index
        %parallel_loop3A_624 = arith.index_cast %parallel_loop3A_259 : i32 to index
        %parallel_loop3A_625 = arith.constant 528 : index
        %parallel_loop3A_626 = tpu.vector_load %arg7[%parallel_loop3A_623, %parallel_loop3A_624, %parallel_loop3A_625] {strides = array<i32>} : memref<2x16x1024xf32, #tpu.memory_space<vmem>>, vector<1x1x16xf32>,
        %parallel_loop3A_627 = vector.shape_cast %parallel_loop3A_626 : vector<1x1x16xf32> to vector<16xf32>
        %parallel_loop3A_628 = arith.index_cast %and3A_201 : i32 to index
        %parallel_loop3A_629 = arith.index_cast %parallel_loop3A_259 : i32 to index
        %parallel_loop3A_630 = arith.constant 528 : index
        %parallel_loop3A_631 = tpu.vector_load %arg8[%parallel_loop3A_628, %parallel_loop3A_629, %parallel_loop3A_630] {strides = array<i32>} : memref<4x16x1024xf32, #tpu.memory_space<vmem>>, vector<1x1x16xf32>,
        %parallel_loop3A_632 = vector.shape_cast %parallel_loop3A_631 : vector<1x1x16xf32> to vector<16xf32>
        %parallel_loop3A_633 = vector.shape_cast %parallel_loop3A_627 : vector<16xf32> to vector<1x1x16xf32>
        tpu.vector_store %arg8[%parallel_loop3A_628, %parallel_loop3A_629, %parallel_loop3A_630], %parallel_loop3A_633 {add = true, strides = array<i32>} : memref<4x16x1024xf32, #tpu.memory_space<vmem>>, vector<1x1x16xf32>,
        %parallel_loop3A_634 = arith.index_cast %and3A_235 : i32 to index
        %parallel_loop3A_635 = arith.index_cast %parallel_loop3A_259 : i32 to index
        %parallel_loop3A_636 = arith.constant 544 : index
        %parallel_loop3A_637 = tpu.vector_load %arg7[%parallel_loop3A_634, %parallel_loop3A_635, %parallel_loop3A_636] {strides = array<i32>} : memref<2x16x1024xf32, #tpu.memory_space<vmem>>, vector<1x1x16xf32>,
        %parallel_loop3A_638 = vector.shape_cast %parallel_loop3A_637 : vector<1x1x16xf32> to vector<16xf32>
        %parallel_loop3A_639 = arith.index_cast %and3A_201 : i32 to index
        %parallel_loop3A_640 = arith.index_cast %parallel_loop3A_259 : i32 to index
        %parallel_loop3A_641 = arith.constant 544 : index
        %parallel_loop3A_642 = tpu.vector_load %arg8[%parallel_loop3A_639, %parallel_loop3A_640, %parallel_loop3A_641] {strides = array<i32>} : memref<4x16x1024xf32, #tpu.memory_space<vmem>>, vector<1x1x16xf32>,
        %parallel_loop3A_643 = vector.shape_cast %parallel_loop3A_642 : vector<1x1x16xf32> to vector<16xf32>
        %parallel_loop3A_644 = vector.shape_cast %parallel_loop3A_638 : vector<16xf32> to vector<1x1x16xf32>
        tpu.vector_store %arg8[%parallel_loop3A_639, %parallel_loop3A_640, %parallel_loop3A_641], %parallel_loop3A_644 {add = true, strides = array<i32>} : memref<4x16x1024xf32, #tpu.memory_space<vmem>>, vector<1x1x16xf32>,
        %parallel_loop3A_645 = arith.index_cast %and3A_235 : i32 to index
        %parallel_loop3A_646 = arith.index_cast %parallel_loop3A_259 : i32 to index
        %parallel_loop3A_647 = arith.constant 560 : index
        %parallel_loop3A_648 = tpu.vector_load %arg7[%parallel_loop3A_645, %parallel_loop3A_646, %parallel_loop3A_647] {strides = array<i32>} : memref<2x16x1024xf32, #tpu.memory_space<vmem>>, vector<1x1x16xf32>,
        %parallel_loop3A_649 = vector.shape_cast %parallel_loop3A_648 : vector<1x1x16xf32> to vector<16xf32>
        %parallel_loop3A_650 = arith.index_cast %and3A_201 : i32 to index
        %parallel_loop3A_651 = arith.index_cast %parallel_loop3A_259 : i32 to index
        %parallel_loop3A_652 = arith.constant 560 : index
        %parallel_loop3A_653 = tpu.vector_load %arg8[%parallel_loop3A_650, %parallel_loop3A_651, %parallel_loop3A_652] {strides = array<i32>} : memref<4x16x1024xf32, #tpu.memory_space<vmem>>, vector<1x1x16xf32>,
        %parallel_loop3A_654 = vector.shape_cast %parallel_loop3A_653 : vector<1x1x16xf32> to vector<16xf32>
        %parallel_loop3A_655 = vector.shape_cast %parallel_loop3A_649 : vector<16xf32> to vector<1x1x16xf32>
        tpu.vector_store %arg8[%parallel_loop3A_650, %parallel_loop3A_651, %parallel_loop3A_652], %parallel_loop3A_655 {add = true, strides = array<i32>} : memref<4x16x1024xf32, #tpu.memory_space<vmem>>, vector<1x1x16xf32>,
        %parallel_loop3A_656 = arith.index_cast %and3A_235 : i32 to index
        %parallel_loop3A_657 = arith.index_cast %parallel_loop3A_259 : i32 to index
        %parallel_loop3A_658 = arith.constant 576 : index
        %parallel_loop3A_659 = tpu.vector_load %arg7[%parallel_loop3A_656, %parallel_loop3A_657, %parallel_loop3A_658] {strides = array<i32>} : memref<2x16x1024xf32, #tpu.memory_space<vmem>>, vector<1x1x16xf32>,
        %parallel_loop3A_660 = vector.shape_cast %parallel_loop3A_659 : vector<1x1x16xf32> to vector<16xf32>
        %parallel_loop3A_661 = arith.index_cast %and3A_201 : i32 to index
        %parallel_loop3A_662 = arith.index_cast %parallel_loop3A_259 : i32 to index
        %parallel_loop3A_663 = arith.constant 576 : index
        %parallel_loop3A_664 = tpu.vector_load %arg8[%parallel_loop3A_661, %parallel_loop3A_662, %parallel_loop3A_663] {strides = array<i32>} : memref<4x16x1024xf32, #tpu.memory_space<vmem>>, vector<1x1x16xf32>,
        %parallel_loop3A_665 = vector.shape_cast %parallel_loop3A_664 : vector<1x1x16xf32> to vector<16xf32>
        %parallel_loop3A_666 = vector.shape_cast %parallel_loop3A_660 : vector<16xf32> to vector<1x1x16xf32>
        tpu.vector_store %arg8[%parallel_loop3A_661, %parallel_loop3A_662, %parallel_loop3A_663], %parallel_loop3A_666 {add = true, strides = array<i32>} : memref<4x16x1024xf32, #tpu.memory_space<vmem>>, vector<1x1x16xf32>,
        %parallel_loop3A_667 = arith.index_cast %and3A_235 : i32 to index
        %parallel_loop3A_668 = arith.index_cast %parallel_loop3A_259 : i32 to index
        %parallel_loop3A_669 = arith.constant 592 : index
        %parallel_loop3A_670 = tpu.vector_load %arg7[%parallel_loop3A_667, %parallel_loop3A_668, %parallel_loop3A_669] {strides = array<i32>} : memref<2x16x1024xf32, #tpu.memory_space<vmem>>, vector<1x1x16xf32>,
        %parallel_loop3A_671 = vector.shape_cast %parallel_loop3A_670 : vector<1x1x16xf32> to vector<16xf32>
        %parallel_loop3A_672 = arith.index_cast %and3A_201 : i32 to index
        %parallel_loop3A_673 = arith.index_cast %parallel_loop3A_259 : i32 to index
        %parallel_loop3A_674 = arith.constant 592 : index
        %parallel_loop3A_675 = tpu.vector_load %arg8[%parallel_loop3A_672, %parallel_loop3A_673, %parallel_loop3A_674] {strides = array<i32>} : memref<4x16x1024xf32, #tpu.memory_space<vmem>>, vector<1x1x16xf32>,
        %parallel_loop3A_676 = vector.shape_cast %parallel_loop3A_675 : vector<1x1x16xf32> to vector<16xf32>
        %parallel_loop3A_677 = vector.shape_cast %parallel_loop3A_671 : vector<16xf32> to vector<1x1x16xf32>
        tpu.vector_store %arg8[%parallel_loop3A_672, %parallel_loop3A_673, %parallel_loop3A_674], %parallel_loop3A_677 {add = true, strides = array<i32>} : memref<4x16x1024xf32, #tpu.memory_space<vmem>>, vector<1x1x16xf32>,
        %parallel_loop3A_678 = arith.index_cast %and3A_235 : i32 to index
        %parallel_loop3A_679 = arith.index_cast %parallel_loop3A_259 : i32 to index
        %parallel_loop3A_680 = arith.constant 608 : index
        %parallel_loop3A_681 = tpu.vector_load %arg7[%parallel_loop3A_678, %parallel_loop3A_679, %parallel_loop3A_680] {strides = array<i32>} : memref<2x16x1024xf32, #tpu.memory_space<vmem>>, vector<1x1x16xf32>,
        %parallel_loop3A_682 = vector.shape_cast %parallel_loop3A_681 : vector<1x1x16xf32> to vector<16xf32>
        %parallel_loop3A_683 = arith.index_cast %and3A_201 : i32 to index
        %parallel_loop3A_684 = arith.index_cast %parallel_loop3A_259 : i32 to index
        %parallel_loop3A_685 = arith.constant 608 : index
        %parallel_loop3A_686 = tpu.vector_load %arg8[%parallel_loop3A_683, %parallel_loop3A_684, %parallel_loop3A_685] {strides = array<i32>} : memref<4x16x1024xf32, #tpu.memory_space<vmem>>, vector<1x1x16xf32>,
        %parallel_loop3A_687 = vector.shape_cast %parallel_loop3A_686 : vector<1x1x16xf32> to vector<16xf32>
        %parallel_loop3A_688 = vector.shape_cast %parallel_loop3A_682 : vector<16xf32> to vector<1x1x16xf32>
        tpu.vector_store %arg8[%parallel_loop3A_683, %parallel_loop3A_684, %parallel_loop3A_685], %parallel_loop3A_688 {add = true, strides = array<i32>} : memref<4x16x1024xf32, #tpu.memory_space<vmem>>, vector<1x1x16xf32>,
        %parallel_loop3A_689 = arith.index_cast %and3A_235 : i32 to index
        %parallel_loop3A_690 = arith.index_cast %parallel_loop3A_259 : i32 to index
        %parallel_loop3A_691 = arith.constant 624 : index
        %parallel_loop3A_692 = tpu.vector_load %arg7[%parallel_loop3A_689, %parallel_loop3A_690, %parallel_loop3A_691] {strides = array<i32>} : memref<2x16x1024xf32, #tpu.memory_space<vmem>>, vector<1x1x16xf32>,
        %parallel_loop3A_693 = vector.shape_cast %parallel_loop3A_692 : vector<1x1x16xf32> to vector<16xf32>
        %parallel_loop3A_694 = arith.index_cast %and3A_201 : i32 to index
        %parallel_loop3A_695 = arith.index_cast %parallel_loop3A_259 : i32 to index
        %parallel_loop3A_696 = arith.constant 624 : index
        %parallel_loop3A_697 = tpu.vector_load %arg8[%parallel_loop3A_694, %parallel_loop3A_695, %parallel_loop3A_696] {strides = array<i32>} : memref<4x16x1024xf32, #tpu.memory_space<vmem>>, vector<1x1x16xf32>,
        %parallel_loop3A_698 = vector.shape_cast %parallel_loop3A_697 : vector<1x1x16xf32> to vector<16xf32>
        %parallel_loop3A_699 = vector.shape_cast %parallel_loop3A_693 : vector<16xf32> to vector<1x1x16xf32>
        tpu.vector_store %arg8[%parallel_loop3A_694, %parallel_loop3A_695, %parallel_loop3A_696], %parallel_loop3A_699 {add = true, strides = array<i32>} : memref<4x16x1024xf32, #tpu.memory_space<vmem>>, vector<1x1x16xf32>,
        %parallel_loop3A_700 = arith.index_cast %and3A_235 : i32 to index
        %parallel_loop3A_701 = arith.index_cast %parallel_loop3A_259 : i32 to index
        %parallel_loop3A_702 = arith.constant 640 : index
        %parallel_loop3A_703 = tpu.vector_load %arg7[%parallel_loop3A_700, %parallel_loop3A_701, %parallel_loop3A_702] {strides = array<i32>} : memref<2x16x1024xf32, #tpu.memory_space<vmem>>, vector<1x1x16xf32>,
        %parallel_loop3A_704 = vector.shape_cast %parallel_loop3A_703 : vector<1x1x16xf32> to vector<16xf32>
        %parallel_loop3A_705 = arith.index_cast %and3A_201 : i32 to index
        %parallel_loop3A_706 = arith.index_cast %parallel_loop3A_259 : i32 to index
        %parallel_loop3A_707 = arith.constant 640 : index
        %parallel_loop3A_708 = tpu.vector_load %arg8[%parallel_loop3A_705, %parallel_loop3A_706, %parallel_loop3A_707] {strides = array<i32>} : memref<4x16x1024xf32, #tpu.memory_space<vmem>>, vector<1x1x16xf32>,
        %parallel_loop3A_709 = vector.shape_cast %parallel_loop3A_708 : vector<1x1x16xf32> to vector<16xf32>
        %parallel_loop3A_710 = vector.shape_cast %parallel_loop3A_704 : vector<16xf32> to vector<1x1x16xf32>
        tpu.vector_store %arg8[%parallel_loop3A_705, %parallel_loop3A_706, %parallel_loop3A_707], %parallel_loop3A_710 {add = true, strides = array<i32>} : memref<4x16x1024xf32, #tpu.memory_space<vmem>>, vector<1x1x16xf32>,
        %parallel_loop3A_711 = arith.index_cast %and3A_235 : i32 to index
        %parallel_loop3A_712 = arith.index_cast %parallel_loop3A_259 : i32 to index
        %parallel_loop3A_713 = arith.constant 656 : index
        %parallel_loop3A_714 = tpu.vector_load %arg7[%parallel_loop3A_711, %parallel_loop3A_712, %parallel_loop3A_713] {strides = array<i32>} : memref<2x16x1024xf32, #tpu.memory_space<vmem>>, vector<1x1x16xf32>,
        %parallel_loop3A_715 = vector.shape_cast %parallel_loop3A_714 : vector<1x1x16xf32> to vector<16xf32>
        %parallel_loop3A_716 = arith.index_cast %and3A_201 : i32 to index
        %parallel_loop3A_717 = arith.index_cast %parallel_loop3A_259 : i32 to index
        %parallel_loop3A_718 = arith.constant 656 : index
        %parallel_loop3A_719 = tpu.vector_load %arg8[%parallel_loop3A_716, %parallel_loop3A_717, %parallel_loop3A_718] {strides = array<i32>} : memref<4x16x1024xf32, #tpu.memory_space<vmem>>, vector<1x1x16xf32>,
        %parallel_loop3A_720 = vector.shape_cast %parallel_loop3A_719 : vector<1x1x16xf32> to vector<16xf32>
        %parallel_loop3A_721 = vector.shape_cast %parallel_loop3A_715 : vector<16xf32> to vector<1x1x16xf32>
        tpu.vector_store %arg8[%parallel_loop3A_716, %parallel_loop3A_717, %parallel_loop3A_718], %parallel_loop3A_721 {add = true, strides = array<i32>} : memref<4x16x1024xf32, #tpu.memory_space<vmem>>, vector<1x1x16xf32>,
        %parallel_loop3A_722 = arith.index_cast %and3A_235 : i32 to index
        %parallel_loop3A_723 = arith.index_cast %parallel_loop3A_259 : i32 to index
        %parallel_loop3A_724 = arith.constant 672 : index
        %parallel_loop3A_725 = tpu.vector_load %arg7[%parallel_loop3A_722, %parallel_loop3A_723, %parallel_loop3A_724] {strides = array<i32>} : memref<2x16x1024xf32, #tpu.memory_space<vmem>>, vector<1x1x16xf32>,
        %parallel_loop3A_726 = vector.shape_cast %parallel_loop3A_725 : vector<1x1x16xf32> to vector<16xf32>
        %parallel_loop3A_727 = arith.index_cast %and3A_201 : i32 to index
        %parallel_loop3A_728 = arith.index_cast %parallel_loop3A_259 : i32 to index
        %parallel_loop3A_729 = arith.constant 672 : index
        %parallel_loop3A_730 = tpu.vector_load %arg8[%parallel_loop3A_727, %parallel_loop3A_728, %parallel_loop3A_729] {strides = array<i32>} : memref<4x16x1024xf32, #tpu.memory_space<vmem>>, vector<1x1x16xf32>,
        %parallel_loop3A_731 = vector.shape_cast %parallel_loop3A_730 : vector<1x1x16xf32> to vector<16xf32>
        %parallel_loop3A_732 = vector.shape_cast %parallel_loop3A_726 : vector<16xf32> to vector<1x1x16xf32>
        tpu.vector_store %arg8[%parallel_loop3A_727, %parallel_loop3A_728, %parallel_loop3A_729], %parallel_loop3A_732 {add = true, strides = array<i32>} : memref<4x16x1024xf32, #tpu.memory_space<vmem>>, vector<1x1x16xf32>,
        %parallel_loop3A_733 = arith.index_cast %and3A_235 : i32 to index
        %parallel_loop3A_734 = arith.index_cast %parallel_loop3A_259 : i32 to index
        %parallel_loop3A_735 = arith.constant 688 : index
        %parallel_loop3A_736 = tpu.vector_load %arg7[%parallel_loop3A_733, %parallel_loop3A_734, %parallel_loop3A_735] {strides = array<i32>} : memref<2x16x1024xf32, #tpu.memory_space<vmem>>, vector<1x1x16xf32>,
        %parallel_loop3A_737 = vector.shape_cast %parallel_loop3A_736 : vector<1x1x16xf32> to vector<16xf32>
        %parallel_loop3A_738 = arith.index_cast %and3A_201 : i32 to index
        %parallel_loop3A_739 = arith.index_cast %parallel_loop3A_259 : i32 to index
        %parallel_loop3A_740 = arith.constant 688 : index
        %parallel_loop3A_741 = tpu.vector_load %arg8[%parallel_loop3A_738, %parallel_loop3A_739, %parallel_loop3A_740] {strides = array<i32>} : memref<4x16x1024xf32, #tpu.memory_space<vmem>>, vector<1x1x16xf32>,
        %parallel_loop3A_742 = vector.shape_cast %parallel_loop3A_741 : vector<1x1x16xf32> to vector<16xf32>
        %parallel_loop3A_743 = vector.shape_cast %parallel_loop3A_737 : vector<16xf32> to vector<1x1x16xf32>
        tpu.vector_store %arg8[%parallel_loop3A_738, %parallel_loop3A_739, %parallel_loop3A_740], %parallel_loop3A_743 {add = true, strides = array<i32>} : memref<4x16x1024xf32, #tpu.memory_space<vmem>>, vector<1x1x16xf32>,
        %parallel_loop3A_744 = arith.index_cast %and3A_235 : i32 to index
        %parallel_loop3A_745 = arith.index_cast %parallel_loop3A_259 : i32 to index
        %parallel_loop3A_746 = arith.constant 704 : index
        %parallel_loop3A_747 = tpu.vector_load %arg7[%parallel_loop3A_744, %parallel_loop3A_745, %parallel_loop3A_746] {strides = array<i32>} : memref<2x16x1024xf32, #tpu.memory_space<vmem>>, vector<1x1x16xf32>,
        %parallel_loop3A_748 = vector.shape_cast %parallel_loop3A_747 : vector<1x1x16xf32> to vector<16xf32>
        %parallel_loop3A_749 = arith.index_cast %and3A_201 : i32 to index
        %parallel_loop3A_750 = arith.index_cast %parallel_loop3A_259 : i32 to index
        %parallel_loop3A_751 = arith.constant 704 : index
        %parallel_loop3A_752 = tpu.vector_load %arg8[%parallel_loop3A_749, %parallel_loop3A_750, %parallel_loop3A_751] {strides = array<i32>} : memref<4x16x1024xf32, #tpu.memory_space<vmem>>, vector<1x1x16xf32>,
        %parallel_loop3A_753 = vector.shape_cast %parallel_loop3A_752 : vector<1x1x16xf32> to vector<16xf32>
        %parallel_loop3A_754 = vector.shape_cast %parallel_loop3A_748 : vector<16xf32> to vector<1x1x16xf32>
        tpu.vector_store %arg8[%parallel_loop3A_749, %parallel_loop3A_750, %parallel_loop3A_751], %parallel_loop3A_754 {add = true, strides = array<i32>} : memref<4x16x1024xf32, #tpu.memory_space<vmem>>, vector<1x1x16xf32>,
        %parallel_loop3A_755 = arith.index_cast %and3A_235 : i32 to index
        %parallel_loop3A_756 = arith.index_cast %parallel_loop3A_259 : i32 to index
        %parallel_loop3A_757 = arith.constant 720 : index
        %parallel_loop3A_758 = tpu.vector_load %arg7[%parallel_loop3A_755, %parallel_loop3A_756, %parallel_loop3A_757] {strides = array<i32>} : memref<2x16x1024xf32, #tpu.memory_space<vmem>>, vector<1x1x16xf32>,
        %parallel_loop3A_759 = vector.shape_cast %parallel_loop3A_758 : vector<1x1x16xf32> to vector<16xf32>
        %parallel_loop3A_760 = arith.index_cast %and3A_201 : i32 to index
        %parallel_loop3A_761 = arith.index_cast %parallel_loop3A_259 : i32 to index
        %parallel_loop3A_762 = arith.constant 720 : index
        %parallel_loop3A_763 = tpu.vector_load %arg8[%parallel_loop3A_760, %parallel_loop3A_761, %parallel_loop3A_762] {strides = array<i32>} : memref<4x16x1024xf32, #tpu.memory_space<vmem>>, vector<1x1x16xf32>,
        %parallel_loop3A_764 = vector.shape_cast %parallel_loop3A_763 : vector<1x1x16xf32> to vector<16xf32>
        %parallel_loop3A_765 = vector.shape_cast %parallel_loop3A_759 : vector<16xf32> to vector<1x1x16xf32>
        tpu.vector_store %arg8[%parallel_loop3A_760, %parallel_loop3A_761, %parallel_loop3A_762], %parallel_loop3A_765 {add = true, strides = array<i32>} : memref<4x16x1024xf32, #tpu.memory_space<vmem>>, vector<1x1x16xf32>,
        %parallel_loop3A_766 = arith.index_cast %and3A_235 : i32 to index
        %parallel_loop3A_767 = arith.index_cast %parallel_loop3A_259 : i32 to index
        %parallel_loop3A_768 = arith.constant 736 : index
        %parallel_loop3A_769 = tpu.vector_load %arg7[%parallel_loop3A_766, %parallel_loop3A_767, %parallel_loop3A_768] {strides = array<i32>} : memref<2x16x1024xf32, #tpu.memory_space<vmem>>, vector<1x1x16xf32>,
        %parallel_loop3A_770 = vector.shape_cast %parallel_loop3A_769 : vector<1x1x16xf32> to vector<16xf32>
        %parallel_loop3A_771 = arith.index_cast %and3A_201 : i32 to index
        %parallel_loop3A_772 = arith.index_cast %parallel_loop3A_259 : i32 to index
        %parallel_loop3A_773 = arith.constant 736 : index
        %parallel_loop3A_774 = tpu.vector_load %arg8[%parallel_loop3A_771, %parallel_loop3A_772, %parallel_loop3A_773] {strides = array<i32>} : memref<4x16x1024xf32, #tpu.memory_space<vmem>>, vector<1x1x16xf32>,
        %parallel_loop3A_775 = vector.shape_cast %parallel_loop3A_774 : vector<1x1x16xf32> to vector<16xf32>
        %parallel_loop3A_776 = vector.shape_cast %parallel_loop3A_770 : vector<16xf32> to vector<1x1x16xf32>
        tpu.vector_store %arg8[%parallel_loop3A_771, %parallel_loop3A_772, %parallel_loop3A_773], %parallel_loop3A_776 {add = true, strides = array<i32>} : memref<4x16x1024xf32, #tpu.memory_space<vmem>>, vector<1x1x16xf32>,
        %parallel_loop3A_777 = arith.index_cast %and3A_235 : i32 to index
        %parallel_loop3A_778 = arith.index_cast %parallel_loop3A_259 : i32 to index
        %parallel_loop3A_779 = arith.constant 752 : index
        %parallel_loop3A_780 = tpu.vector_load %arg7[%parallel_loop3A_777, %parallel_loop3A_778, %parallel_loop3A_779] {strides = array<i32>} : memref<2x16x1024xf32, #tpu.memory_space<vmem>>, vector<1x1x16xf32>,
        %parallel_loop3A_781 = vector.shape_cast %parallel_loop3A_780 : vector<1x1x16xf32> to vector<16xf32>
        %parallel_loop3A_782 = arith.index_cast %and3A_201 : i32 to index
        %parallel_loop3A_783 = arith.index_cast %parallel_loop3A_259 : i32 to index
        %parallel_loop3A_784 = arith.constant 752 : index
        %parallel_loop3A_785 = tpu.vector_load %arg8[%parallel_loop3A_782, %parallel_loop3A_783, %parallel_loop3A_784] {strides = array<i32>} : memref<4x16x1024xf32, #tpu.memory_space<vmem>>, vector<1x1x16xf32>,
        %parallel_loop3A_786 = vector.shape_cast %parallel_loop3A_785 : vector<1x1x16xf32> to vector<16xf32>
        %parallel_loop3A_787 = vector.shape_cast %parallel_loop3A_781 : vector<16xf32> to vector<1x1x16xf32>
        tpu.vector_store %arg8[%parallel_loop3A_782, %parallel_loop3A_783, %parallel_loop3A_784], %parallel_loop3A_787 {add = true, strides = array<i32>} : memref<4x16x1024xf32, #tpu.memory_space<vmem>>, vector<1x1x16xf32>,
        %parallel_loop3A_788 = arith.index_cast %and3A_235 : i32 to index
        %parallel_loop3A_789 = arith.index_cast %parallel_loop3A_259 : i32 to index
        %parallel_loop3A_790 = arith.constant 768 : index
        %parallel_loop3A_791 = tpu.vector_load %arg7[%parallel_loop3A_788, %parallel_loop3A_789, %parallel_loop3A_790] {strides = array<i32>} : memref<2x16x1024xf32, #tpu.memory_space<vmem>>, vector<1x1x16xf32>,
        %parallel_loop3A_792 = vector.shape_cast %parallel_loop3A_791 : vector<1x1x16xf32> to vector<16xf32>
        %parallel_loop3A_793 = arith.index_cast %and3A_201 : i32 to index
        %parallel_loop3A_794 = arith.index_cast %parallel_loop3A_259 : i32 to index
        %parallel_loop3A_795 = arith.constant 768 : index
        %parallel_loop3A_796 = tpu.vector_load %arg8[%parallel_loop3A_793, %parallel_loop3A_794, %parallel_loop3A_795] {strides = array<i32>} : memref<4x16x1024xf32, #tpu.memory_space<vmem>>, vector<1x1x16xf32>,
        %parallel_loop3A_797 = vector.shape_cast %parallel_loop3A_796 : vector<1x1x16xf32> to vector<16xf32>
        %parallel_loop3A_798 = vector.shape_cast %parallel_loop3A_792 : vector<16xf32> to vector<1x1x16xf32>
        tpu.vector_store %arg8[%parallel_loop3A_793, %parallel_loop3A_794, %parallel_loop3A_795], %parallel_loop3A_798 {add = true, strides = array<i32>} : memref<4x16x1024xf32, #tpu.memory_space<vmem>>, vector<1x1x16xf32>,
        %parallel_loop3A_799 = arith.index_cast %and3A_235 : i32 to index
        %parallel_loop3A_800 = arith.index_cast %parallel_loop3A_259 : i32 to index
        %parallel_loop3A_801 = arith.constant 784 : index
        %parallel_loop3A_802 = tpu.vector_load %arg7[%parallel_loop3A_799, %parallel_loop3A_800, %parallel_loop3A_801] {strides = array<i32>} : memref<2x16x1024xf32, #tpu.memory_space<vmem>>, vector<1x1x16xf32>,
        %parallel_loop3A_803 = vector.shape_cast %parallel_loop3A_802 : vector<1x1x16xf32> to vector<16xf32>
        %parallel_loop3A_804 = arith.index_cast %and3A_201 : i32 to index
        %parallel_loop3A_805 = arith.index_cast %parallel_loop3A_259 : i32 to index
        %parallel_loop3A_806 = arith.constant 784 : index
        %parallel_loop3A_807 = tpu.vector_load %arg8[%parallel_loop3A_804, %parallel_loop3A_805, %parallel_loop3A_806] {strides = array<i32>} : memref<4x16x1024xf32, #tpu.memory_space<vmem>>, vector<1x1x16xf32>,
        %parallel_loop3A_808 = vector.shape_cast %parallel_loop3A_807 : vector<1x1x16xf32> to vector<16xf32>
        %parallel_loop3A_809 = vector.shape_cast %parallel_loop3A_803 : vector<16xf32> to vector<1x1x16xf32>
        tpu.vector_store %arg8[%parallel_loop3A_804, %parallel_loop3A_805, %parallel_loop3A_806], %parallel_loop3A_809 {add = true, strides = array<i32>} : memref<4x16x1024xf32, #tpu.memory_space<vmem>>, vector<1x1x16xf32>,
        %parallel_loop3A_810 = arith.index_cast %and3A_235 : i32 to index
        %parallel_loop3A_811 = arith.index_cast %parallel_loop3A_259 : i32 to index
        %parallel_loop3A_812 = arith.constant 800 : index
        %parallel_loop3A_813 = tpu.vector_load %arg7[%parallel_loop3A_810, %parallel_loop3A_811, %parallel_loop3A_812] {strides = array<i32>} : memref<2x16x1024xf32, #tpu.memory_space<vmem>>, vector<1x1x16xf32>,
        %parallel_loop3A_814 = vector.shape_cast %parallel_loop3A_813 : vector<1x1x16xf32> to vector<16xf32>
        %parallel_loop3A_815 = arith.index_cast %and3A_201 : i32 to index
        %parallel_loop3A_816 = arith.index_cast %parallel_loop3A_259 : i32 to index
        %parallel_loop3A_817 = arith.constant 800 : index
        %parallel_loop3A_818 = tpu.vector_load %arg8[%parallel_loop3A_815, %parallel_loop3A_816, %parallel_loop3A_817] {strides = array<i32>} : memref<4x16x1024xf32, #tpu.memory_space<vmem>>, vector<1x1x16xf32>,
        %parallel_loop3A_819 = vector.shape_cast %parallel_loop3A_818 : vector<1x1x16xf32> to vector<16xf32>
        %parallel_loop3A_820 = vector.shape_cast %parallel_loop3A_814 : vector<16xf32> to vector<1x1x16xf32>
        tpu.vector_store %arg8[%parallel_loop3A_815, %parallel_loop3A_816, %parallel_loop3A_817], %parallel_loop3A_820 {add = true, strides = array<i32>} : memref<4x16x1024xf32, #tpu.memory_space<vmem>>, vector<1x1x16xf32>,
        %parallel_loop3A_821 = arith.index_cast %and3A_235 : i32 to index
        %parallel_loop3A_822 = arith.index_cast %parallel_loop3A_259 : i32 to index
        %parallel_loop3A_823 = arith.constant 816 : index
        %parallel_loop3A_824 = tpu.vector_load %arg7[%parallel_loop3A_821, %parallel_loop3A_822, %parallel_loop3A_823] {strides = array<i32>} : memref<2x16x1024xf32, #tpu.memory_space<vmem>>, vector<1x1x16xf32>,
        %parallel_loop3A_825 = vector.shape_cast %parallel_loop3A_824 : vector<1x1x16xf32> to vector<16xf32>
        %parallel_loop3A_826 = arith.index_cast %and3A_201 : i32 to index
        %parallel_loop3A_827 = arith.index_cast %parallel_loop3A_259 : i32 to index
        %parallel_loop3A_828 = arith.constant 816 : index
        %parallel_loop3A_829 = tpu.vector_load %arg8[%parallel_loop3A_826, %parallel_loop3A_827, %parallel_loop3A_828] {strides = array<i32>} : memref<4x16x1024xf32, #tpu.memory_space<vmem>>, vector<1x1x16xf32>,
        %parallel_loop3A_830 = vector.shape_cast %parallel_loop3A_829 : vector<1x1x16xf32> to vector<16xf32>
        %parallel_loop3A_831 = vector.shape_cast %parallel_loop3A_825 : vector<16xf32> to vector<1x1x16xf32>
        tpu.vector_store %arg8[%parallel_loop3A_826, %parallel_loop3A_827, %parallel_loop3A_828], %parallel_loop3A_831 {add = true, strides = array<i32>} : memref<4x16x1024xf32, #tpu.memory_space<vmem>>, vector<1x1x16xf32>,
        %parallel_loop3A_832 = arith.index_cast %and3A_235 : i32 to index
        %parallel_loop3A_833 = arith.index_cast %parallel_loop3A_259 : i32 to index
        %parallel_loop3A_834 = arith.constant 832 : index
        %parallel_loop3A_835 = tpu.vector_load %arg7[%parallel_loop3A_832, %parallel_loop3A_833, %parallel_loop3A_834] {strides = array<i32>} : memref<2x16x1024xf32, #tpu.memory_space<vmem>>, vector<1x1x16xf32>,
        %parallel_loop3A_836 = vector.shape_cast %parallel_loop3A_835 : vector<1x1x16xf32> to vector<16xf32>
        %parallel_loop3A_837 = arith.index_cast %and3A_201 : i32 to index
        %parallel_loop3A_838 = arith.index_cast %parallel_loop3A_259 : i32 to index
        %parallel_loop3A_839 = arith.constant 832 : index
        %parallel_loop3A_840 = tpu.vector_load %arg8[%parallel_loop3A_837, %parallel_loop3A_838, %parallel_loop3A_839] {strides = array<i32>} : memref<4x16x1024xf32, #tpu.memory_space<vmem>>, vector<1x1x16xf32>,
        %parallel_loop3A_841 = vector.shape_cast %parallel_loop3A_840 : vector<1x1x16xf32> to vector<16xf32>
        %parallel_loop3A_842 = vector.shape_cast %parallel_loop3A_836 : vector<16xf32> to vector<1x1x16xf32>
        tpu.vector_store %arg8[%parallel_loop3A_837, %parallel_loop3A_838, %parallel_loop3A_839], %parallel_loop3A_842 {add = true, strides = array<i32>} : memref<4x16x1024xf32, #tpu.memory_space<vmem>>, vector<1x1x16xf32>,
        %parallel_loop3A_843 = arith.index_cast %and3A_235 : i32 to index
        %parallel_loop3A_844 = arith.index_cast %parallel_loop3A_259 : i32 to index
        %parallel_loop3A_845 = arith.constant 848 : index
        %parallel_loop3A_846 = tpu.vector_load %arg7[%parallel_loop3A_843, %parallel_loop3A_844, %parallel_loop3A_845] {strides = array<i32>} : memref<2x16x1024xf32, #tpu.memory_space<vmem>>, vector<1x1x16xf32>,
        %parallel_loop3A_847 = vector.shape_cast %parallel_loop3A_846 : vector<1x1x16xf32> to vector<16xf32>
        %parallel_loop3A_848 = arith.index_cast %and3A_201 : i32 to index
        %parallel_loop3A_849 = arith.index_cast %parallel_loop3A_259 : i32 to index
        %parallel_loop3A_850 = arith.constant 848 : index
        %parallel_loop3A_851 = tpu.vector_load %arg8[%parallel_loop3A_848, %parallel_loop3A_849, %parallel_loop3A_850] {strides = array<i32>} : memref<4x16x1024xf32, #tpu.memory_space<vmem>>, vector<1x1x16xf32>,
        %parallel_loop3A_852 = vector.shape_cast %parallel_loop3A_851 : vector<1x1x16xf32> to vector<16xf32>
        %parallel_loop3A_853 = vector.shape_cast %parallel_loop3A_847 : vector<16xf32> to vector<1x1x16xf32>
        tpu.vector_store %arg8[%parallel_loop3A_848, %parallel_loop3A_849, %parallel_loop3A_850], %parallel_loop3A_853 {add = true, strides = array<i32>} : memref<4x16x1024xf32, #tpu.memory_space<vmem>>, vector<1x1x16xf32>,
        %parallel_loop3A_854 = arith.index_cast %and3A_235 : i32 to index
        %parallel_loop3A_855 = arith.index_cast %parallel_loop3A_259 : i32 to index
        %parallel_loop3A_856 = arith.constant 864 : index
        %parallel_loop3A_857 = tpu.vector_load %arg7[%parallel_loop3A_854, %parallel_loop3A_855, %parallel_loop3A_856] {strides = array<i32>} : memref<2x16x1024xf32, #tpu.memory_space<vmem>>, vector<1x1x16xf32>,
        %parallel_loop3A_858 = vector.shape_cast %parallel_loop3A_857 : vector<1x1x16xf32> to vector<16xf32>
        %parallel_loop3A_859 = arith.index_cast %and3A_201 : i32 to index
        %parallel_loop3A_860 = arith.index_cast %parallel_loop3A_259 : i32 to index
        %parallel_loop3A_861 = arith.constant 864 : index
        %parallel_loop3A_862 = tpu.vector_load %arg8[%parallel_loop3A_859, %parallel_loop3A_860, %parallel_loop3A_861] {strides = array<i32>} : memref<4x16x1024xf32, #tpu.memory_space<vmem>>, vector<1x1x16xf32>,
        %parallel_loop3A_863 = vector.shape_cast %parallel_loop3A_862 : vector<1x1x16xf32> to vector<16xf32>
        %parallel_loop3A_864 = vector.shape_cast %parallel_loop3A_858 : vector<16xf32> to vector<1x1x16xf32>
        tpu.vector_store %arg8[%parallel_loop3A_859, %parallel_loop3A_860, %parallel_loop3A_861], %parallel_loop3A_864 {add = true, strides = array<i32>} : memref<4x16x1024xf32, #tpu.memory_space<vmem>>, vector<1x1x16xf32>,
        %parallel_loop3A_865 = arith.index_cast %and3A_235 : i32 to index
        %parallel_loop3A_866 = arith.index_cast %parallel_loop3A_259 : i32 to index
        %parallel_loop3A_867 = arith.constant 880 : index
        %parallel_loop3A_868 = tpu.vector_load %arg7[%parallel_loop3A_865, %parallel_loop3A_866, %parallel_loop3A_867] {strides = array<i32>} : memref<2x16x1024xf32, #tpu.memory_space<vmem>>, vector<1x1x16xf32>,
        %parallel_loop3A_869 = vector.shape_cast %parallel_loop3A_868 : vector<1x1x16xf32> to vector<16xf32>
        %parallel_loop3A_870 = arith.index_cast %and3A_201 : i32 to index
        %parallel_loop3A_871 = arith.index_cast %parallel_loop3A_259 : i32 to index
        %parallel_loop3A_872 = arith.constant 880 : index
        %parallel_loop3A_873 = tpu.vector_load %arg8[%parallel_loop3A_870, %parallel_loop3A_871, %parallel_loop3A_872] {strides = array<i32>} : memref<4x16x1024xf32, #tpu.memory_space<vmem>>, vector<1x1x16xf32>,
        %parallel_loop3A_874 = vector.shape_cast %parallel_loop3A_873 : vector<1x1x16xf32> to vector<16xf32>
        %parallel_loop3A_875 = vector.shape_cast %parallel_loop3A_869 : vector<16xf32> to vector<1x1x16xf32>
        tpu.vector_store %arg8[%parallel_loop3A_870, %parallel_loop3A_871, %parallel_loop3A_872], %parallel_loop3A_875 {add = true, strides = array<i32>} : memref<4x16x1024xf32, #tpu.memory_space<vmem>>, vector<1x1x16xf32>,
        %parallel_loop3A_876 = arith.index_cast %and3A_235 : i32 to index
        %parallel_loop3A_877 = arith.index_cast %parallel_loop3A_259 : i32 to index
        %parallel_loop3A_878 = arith.constant 896 : index
        %parallel_loop3A_879 = tpu.vector_load %arg7[%parallel_loop3A_876, %parallel_loop3A_877, %parallel_loop3A_878] {strides = array<i32>} : memref<2x16x1024xf32, #tpu.memory_space<vmem>>, vector<1x1x16xf32>,
        %parallel_loop3A_880 = vector.shape_cast %parallel_loop3A_879 : vector<1x1x16xf32> to vector<16xf32>
        %parallel_loop3A_881 = arith.index_cast %and3A_201 : i32 to index
        %parallel_loop3A_882 = arith.index_cast %parallel_loop3A_259 : i32 to index
        %parallel_loop3A_883 = arith.constant 896 : index
        %parallel_loop3A_884 = tpu.vector_load %arg8[%parallel_loop3A_881, %parallel_loop3A_882, %parallel_loop3A_883] {strides = array<i32>} : memref<4x16x1024xf32, #tpu.memory_space<vmem>>, vector<1x1x16xf32>,
        %parallel_loop3A_885 = vector.shape_cast %parallel_loop3A_884 : vector<1x1x16xf32> to vector<16xf32>
        %parallel_loop3A_886 = vector.shape_cast %parallel_loop3A_880 : vector<16xf32> to vector<1x1x16xf32>
        tpu.vector_store %arg8[%parallel_loop3A_881, %parallel_loop3A_882, %parallel_loop3A_883], %parallel_loop3A_886 {add = true, strides = array<i32>} : memref<4x16x1024xf32, #tpu.memory_space<vmem>>, vector<1x1x16xf32>,
        %parallel_loop3A_887 = arith.index_cast %and3A_235 : i32 to index
        %parallel_loop3A_888 = arith.index_cast %parallel_loop3A_259 : i32 to index
        %parallel_loop3A_889 = arith.constant 912 : index
        %parallel_loop3A_890 = tpu.vector_load %arg7[%parallel_loop3A_887, %parallel_loop3A_888, %parallel_loop3A_889] {strides = array<i32>} : memref<2x16x1024xf32, #tpu.memory_space<vmem>>, vector<1x1x16xf32>,
        %parallel_loop3A_891 = vector.shape_cast %parallel_loop3A_890 : vector<1x1x16xf32> to vector<16xf32>
        %parallel_loop3A_892 = arith.index_cast %and3A_201 : i32 to index
        %parallel_loop3A_893 = arith.index_cast %parallel_loop3A_259 : i32 to index
        %parallel_loop3A_894 = arith.constant 912 : index
        %parallel_loop3A_895 = tpu.vector_load %arg8[%parallel_loop3A_892, %parallel_loop3A_893, %parallel_loop3A_894] {strides = array<i32>} : memref<4x16x1024xf32, #tpu.memory_space<vmem>>, vector<1x1x16xf32>,
        %parallel_loop3A_896 = vector.shape_cast %parallel_loop3A_895 : vector<1x1x16xf32> to vector<16xf32>
        %parallel_loop3A_897 = vector.shape_cast %parallel_loop3A_891 : vector<16xf32> to vector<1x1x16xf32>
        tpu.vector_store %arg8[%parallel_loop3A_892, %parallel_loop3A_893, %parallel_loop3A_894], %parallel_loop3A_897 {add = true, strides = array<i32>} : memref<4x16x1024xf32, #tpu.memory_space<vmem>>, vector<1x1x16xf32>,
        %parallel_loop3A_898 = arith.index_cast %and3A_235 : i32 to index
        %parallel_loop3A_899 = arith.index_cast %parallel_loop3A_259 : i32 to index
        %parallel_loop3A_900 = arith.constant 928 : index
        %parallel_loop3A_901 = tpu.vector_load %arg7[%parallel_loop3A_898, %parallel_loop3A_899, %parallel_loop3A_900] {strides = array<i32>} : memref<2x16x1024xf32, #tpu.memory_space<vmem>>, vector<1x1x16xf32>,
        %parallel_loop3A_902 = vector.shape_cast %parallel_loop3A_901 : vector<1x1x16xf32> to vector<16xf32>
        %parallel_loop3A_903 = arith.index_cast %and3A_201 : i32 to index
        %parallel_loop3A_904 = arith.index_cast %parallel_loop3A_259 : i32 to index
        %parallel_loop3A_905 = arith.constant 928 : index
        %parallel_loop3A_906 = tpu.vector_load %arg8[%parallel_loop3A_903, %parallel_loop3A_904, %parallel_loop3A_905] {strides = array<i32>} : memref<4x16x1024xf32, #tpu.memory_space<vmem>>, vector<1x1x16xf32>,
        %parallel_loop3A_907 = vector.shape_cast %parallel_loop3A_906 : vector<1x1x16xf32> to vector<16xf32>
        %parallel_loop3A_908 = vector.shape_cast %parallel_loop3A_902 : vector<16xf32> to vector<1x1x16xf32>
        tpu.vector_store %arg8[%parallel_loop3A_903, %parallel_loop3A_904, %parallel_loop3A_905], %parallel_loop3A_908 {add = true, strides = array<i32>} : memref<4x16x1024xf32, #tpu.memory_space<vmem>>, vector<1x1x16xf32>,
        %parallel_loop3A_909 = arith.index_cast %and3A_235 : i32 to index
        %parallel_loop3A_910 = arith.index_cast %parallel_loop3A_259 : i32 to index
        %parallel_loop3A_911 = arith.constant 944 : index
        %parallel_loop3A_912 = tpu.vector_load %arg7[%parallel_loop3A_909, %parallel_loop3A_910, %parallel_loop3A_911] {strides = array<i32>} : memref<2x16x1024xf32, #tpu.memory_space<vmem>>, vector<1x1x16xf32>,
        %parallel_loop3A_913 = vector.shape_cast %parallel_loop3A_912 : vector<1x1x16xf32> to vector<16xf32>
        %parallel_loop3A_914 = arith.index_cast %and3A_201 : i32 to index
        %parallel_loop3A_915 = arith.index_cast %parallel_loop3A_259 : i32 to index
        %parallel_loop3A_916 = arith.constant 944 : index
        %parallel_loop3A_917 = tpu.vector_load %arg8[%parallel_loop3A_914, %parallel_loop3A_915, %parallel_loop3A_916] {strides = array<i32>} : memref<4x16x1024xf32, #tpu.memory_space<vmem>>, vector<1x1x16xf32>,
        %parallel_loop3A_918 = vector.shape_cast %parallel_loop3A_917 : vector<1x1x16xf32> to vector<16xf32>
        %parallel_loop3A_919 = vector.shape_cast %parallel_loop3A_913 : vector<16xf32> to vector<1x1x16xf32>
        tpu.vector_store %arg8[%parallel_loop3A_914, %parallel_loop3A_915, %parallel_loop3A_916], %parallel_loop3A_919 {add = true, strides = array<i32>} : memref<4x16x1024xf32, #tpu.memory_space<vmem>>, vector<1x1x16xf32>,
        %parallel_loop3A_920 = arith.index_cast %and3A_235 : i32 to index
        %parallel_loop3A_921 = arith.index_cast %parallel_loop3A_259 : i32 to index
        %parallel_loop3A_922 = arith.constant 960 : index
        %parallel_loop3A_923 = tpu.vector_load %arg7[%parallel_loop3A_920, %parallel_loop3A_921, %parallel_loop3A_922] {strides = array<i32>} : memref<2x16x1024xf32, #tpu.memory_space<vmem>>, vector<1x1x16xf32>,
        %parallel_loop3A_924 = vector.shape_cast %parallel_loop3A_923 : vector<1x1x16xf32> to vector<16xf32>
        %parallel_loop3A_925 = arith.index_cast %and3A_201 : i32 to index
        %parallel_loop3A_926 = arith.index_cast %parallel_loop3A_259 : i32 to index
        %parallel_loop3A_927 = arith.constant 960 : index
        %parallel_loop3A_928 = tpu.vector_load %arg8[%parallel_loop3A_925, %parallel_loop3A_926, %parallel_loop3A_927] {strides = array<i32>} : memref<4x16x1024xf32, #tpu.memory_space<vmem>>, vector<1x1x16xf32>,
        %parallel_loop3A_929 = vector.shape_cast %parallel_loop3A_928 : vector<1x1x16xf32> to vector<16xf32>
        %parallel_loop3A_930 = vector.shape_cast %parallel_loop3A_924 : vector<16xf32> to vector<1x1x16xf32>
        tpu.vector_store %arg8[%parallel_loop3A_925, %parallel_loop3A_926, %parallel_loop3A_927], %parallel_loop3A_930 {add = true, strides = array<i32>} : memref<4x16x1024xf32, #tpu.memory_space<vmem>>, vector<1x1x16xf32>,
        %parallel_loop3A_931 = arith.index_cast %and3A_235 : i32 to index
        %parallel_loop3A_932 = arith.index_cast %parallel_loop3A_259 : i32 to index
        %parallel_loop3A_933 = arith.constant 976 : index
        %parallel_loop3A_934 = tpu.vector_load %arg7[%parallel_loop3A_931, %parallel_loop3A_932, %parallel_loop3A_933] {strides = array<i32>} : memref<2x16x1024xf32, #tpu.memory_space<vmem>>, vector<1x1x16xf32>,
        %parallel_loop3A_935 = vector.shape_cast %parallel_loop3A_934 : vector<1x1x16xf32> to vector<16xf32>
        %parallel_loop3A_936 = arith.index_cast %and3A_201 : i32 to index
        %parallel_loop3A_937 = arith.index_cast %parallel_loop3A_259 : i32 to index
        %parallel_loop3A_938 = arith.constant 976 : index
        %parallel_loop3A_939 = tpu.vector_load %arg8[%parallel_loop3A_936, %parallel_loop3A_937, %parallel_loop3A_938] {strides = array<i32>} : memref<4x16x1024xf32, #tpu.memory_space<vmem>>, vector<1x1x16xf32>,
        %parallel_loop3A_940 = vector.shape_cast %parallel_loop3A_939 : vector<1x1x16xf32> to vector<16xf32>
        %parallel_loop3A_941 = vector.shape_cast %parallel_loop3A_935 : vector<16xf32> to vector<1x1x16xf32>
        tpu.vector_store %arg8[%parallel_loop3A_936, %parallel_loop3A_937, %parallel_loop3A_938], %parallel_loop3A_941 {add = true, strides = array<i32>} : memref<4x16x1024xf32, #tpu.memory_space<vmem>>, vector<1x1x16xf32>,
        %parallel_loop3A_942 = arith.index_cast %and3A_235 : i32 to index
        %parallel_loop3A_943 = arith.index_cast %parallel_loop3A_259 : i32 to index
        %parallel_loop3A_944 = arith.constant 992 : index
        %parallel_loop3A_945 = tpu.vector_load %arg7[%parallel_loop3A_942, %parallel_loop3A_943, %parallel_loop3A_944] {strides = array<i32>} : memref<2x16x1024xf32, #tpu.memory_space<vmem>>, vector<1x1x16xf32>,
        %parallel_loop3A_946 = vector.shape_cast %parallel_loop3A_945 : vector<1x1x16xf32> to vector<16xf32>
        %parallel_loop3A_947 = arith.index_cast %and3A_201 : i32 to index
        %parallel_loop3A_948 = arith.index_cast %parallel_loop3A_259 : i32 to index
        %parallel_loop3A_949 = arith.constant 992 : index
        %parallel_loop3A_950 = tpu.vector_load %arg8[%parallel_loop3A_947, %parallel_loop3A_948, %parallel_loop3A_949] {strides = array<i32>} : memref<4x16x1024xf32, #tpu.memory_space<vmem>>, vector<1x1x16xf32>,
        %parallel_loop3A_951 = vector.shape_cast %parallel_loop3A_950 : vector<1x1x16xf32> to vector<16xf32>
        %parallel_loop3A_952 = vector.shape_cast %parallel_loop3A_946 : vector<16xf32> to vector<1x1x16xf32>
        tpu.vector_store %arg8[%parallel_loop3A_947, %parallel_loop3A_948, %parallel_loop3A_949], %parallel_loop3A_952 {add = true, strides = array<i32>} : memref<4x16x1024xf32, #tpu.memory_space<vmem>>, vector<1x1x16xf32>,
        %parallel_loop3A_953 = arith.index_cast %and3A_235 : i32 to index
        %parallel_loop3A_954 = arith.index_cast %parallel_loop3A_259 : i32 to index
        %parallel_loop3A_955 = arith.constant 1008 : index
        %parallel_loop3A_956 = tpu.vector_load %arg7[%parallel_loop3A_953, %parallel_loop3A_954, %parallel_loop3A_955] {strides = array<i32>} : memref<2x16x1024xf32, #tpu.memory_space<vmem>>, vector<1x1x16xf32>,
        %parallel_loop3A_957 = vector.shape_cast %parallel_loop3A_956 : vector<1x1x16xf32> to vector<16xf32>
        %parallel_loop3A_958 = arith.index_cast %and3A_201 : i32 to index
        %parallel_loop3A_959 = arith.index_cast %parallel_loop3A_259 : i32 to index
        %parallel_loop3A_960 = arith.constant 1008 : index
        %parallel_loop3A_961 = tpu.vector_load %arg8[%parallel_loop3A_958, %parallel_loop3A_959, %parallel_loop3A_960] {strides = array<i32>} : memref<4x16x1024xf32, #tpu.memory_space<vmem>>, vector<1x1x16xf32>,
        %parallel_loop3A_962 = vector.shape_cast %parallel_loop3A_961 : vector<1x1x16xf32> to vector<16xf32>
        %parallel_loop3A_963 = vector.shape_cast %parallel_loop3A_957 : vector<16xf32> to vector<1x1x16xf32>
        tpu.vector_store %arg8[%parallel_loop3A_958, %parallel_loop3A_959, %parallel_loop3A_960], %parallel_loop3A_963 {add = true, strides = array<i32>} : memref<4x16x1024xf32, #tpu.memory_space<vmem>>, vector<1x1x16xf32>,
      } {sc.loop_unroll_factor = 1 : i64, sc.parallel_access}
      %mul3A_238 = arith.constant 4096 : i32
      %mul3A_239 = arith.muli %and3A_201, %mul3A_238 : i32
      %add3A_240 = arith.addi %mul3A_239, %mul3A_2 : i32
      %mul3A_241 = arith.constant 16 : i32
      %mul3A_242 = arith.muli %shift_right_logical3A_203, %mul3A_241 : i32
      %add3A_243 = arith.addi %add3A_240, %mul3A_242 : i32
      %dma_start3A_244 = arith.constant 0 : i32
      %dma_start3A_245 = arith.constant 0 : i32
      %dma_start3A_246 = tpu.memref_slice %arg8[%and3A_201, %dma_start3A_244, %dma_start3A_245] : memref<4x16x1024xf32, #tpu.memory_space<vmem>> -> memref<1x16x1024xf32, #tpu.memory_space<vmem>>
      %dma_start3A_247 = tpu.memref_squeeze %dma_start3A_246 : memref<1x16x1024xf32, #tpu.memory_space<vmem>> -> memref<16x1024xf32, #tpu.memory_space<vmem>>
      %dma_start3A_248 = arith.constant 0 : i32
      %dma_start3A_249 = tpu.memref_slice %arg5[%add3A_243, %dma_start3A_248] : memref<16384x1024xf32, #tpu.memory_space<hbm>> -> memref<16x1024xf32, #tpu.memory_space<hbm>>
      %dma_start3A_250 = tpu.memref_slice %arg9[%and3A_201] : memref<4x!tpu.dma_semaphore, #tpu.memory_space<semaphore_mem>> -> memref<1x!tpu.dma_semaphore, #tpu.memory_space<semaphore_mem>>
      %dma_start3A_251 = tpu.memref_squeeze %dma_start3A_250 : memref<1x!tpu.dma_semaphore, #tpu.memory_space<semaphore_mem>> -> memref<!tpu.dma_semaphore, #tpu.memory_space<semaphore_mem>>
      %dma_start3A_252 = arith.constant 0 : i32
      %dma_start3A_253 = tpu.memref_slice %arg5[%add3A_243, %dma_start3A_252] : memref<16384x1024xf32, #tpu.memory_space<hbm>> -> memref<16x1024xf32, #tpu.memory_space<hbm>>
      %dma_start3A_254 = arith.constant 0 : i32
      %dma_start3A_255 = arith.constant 0 : i32
      %dma_start3A_256 = tpu.memref_slice %arg8[%and3A_201, %dma_start3A_254, %dma_start3A_255] : memref<4x16x1024xf32, #tpu.memory_space<vmem>> -> memref<1x16x1024xf32, #tpu.memory_space<vmem>>
      %dma_start3A_257 = tpu.memref_squeeze %dma_start3A_256 : memref<1x16x1024xf32, #tpu.memory_space<vmem>> -> memref<16x1024xf32, #tpu.memory_space<vmem>>
      tpu.enqueue_dma source(%dma_start3A_257 : memref<16x1024xf32, #tpu.memory_space<vmem>>) target(%dma_start3A_253 : memref<16x1024xf32, #tpu.memory_space<hbm>>) target_semaphore(%dma_start3A_251 : memref<!tpu.dma_semaphore, #tpu.memory_space<semaphore_mem>>)
      %scan3A_258 = arith.constant 0 : i32
      scf.yield %scan3A_258 : i32
    }
    %scan3A_162 = arith.constant 32 : i32
    %dma_wait3A_163 = arith.constant 0 : i32
    %dma_wait3A_164 = arith.constant 2 : i32
    %dma_wait3A_165 = arith.constant 0 : i32
    %dma_wait3A_166 = arith.constant 0 : i32
    %dma_wait3A_167 = tpu.memref_slice %arg8[%dma_wait3A_163, %dma_wait3A_165, %dma_wait3A_166] : memref<4x16x1024xf32, #tpu.memory_space<vmem>> -> memref<1x16x1024xf32, #tpu.memory_space<vmem>>
    %dma_wait3A_168 = tpu.memref_squeeze %dma_wait3A_167 : memref<1x16x1024xf32, #tpu.memory_space<vmem>> -> memref<16x1024xf32, #tpu.memory_space<vmem>>
    %dma_wait3A_169 = arith.constant 0 : i32
    %dma_wait3A_170 = arith.constant 0 : i32
    %dma_wait3A_171 = tpu.memref_slice %arg5[%dma_wait3A_169, %dma_wait3A_170] : memref<16384x1024xf32, #tpu.memory_space<hbm>> -> memref<16x1024xf32, #tpu.memory_space<hbm>>
    %dma_wait3A_172 = tpu.memref_slice %arg9[%dma_wait3A_164] : memref<4x!tpu.dma_semaphore, #tpu.memory_space<semaphore_mem>> -> memref<1x!tpu.dma_semaphore, #tpu.memory_space<semaphore_mem>>
    %dma_wait3A_173 = tpu.memref_squeeze %dma_wait3A_172 : memref<1x!tpu.dma_semaphore, #tpu.memory_space<semaphore_mem>> -> memref<!tpu.dma_semaphore, #tpu.memory_space<semaphore_mem>>
    %dma_wait3A_174 = arith.constant 0 : i32
    %dma_wait3A_175 = arith.constant 0 : i32
    %dma_wait3A_176 = tpu.memref_slice %arg5[%dma_wait3A_174, %dma_wait3A_175] : memref<16384x1024xf32, #tpu.memory_space<hbm>> -> memref<16x1024xf32, #tpu.memory_space<hbm>>
    %dma_wait3A_177 = arith.constant 0 : i32
    %dma_wait3A_178 = arith.constant 0 : i32
    %dma_wait3A_179 = tpu.memref_slice %arg8[%dma_wait3A_163, %dma_wait3A_177, %dma_wait3A_178] : memref<4x16x1024xf32, #tpu.memory_space<vmem>> -> memref<1x16x1024xf32, #tpu.memory_space<vmem>>
    %dma_wait3A_180 = tpu.memref_squeeze %dma_wait3A_179 : memref<1x16x1024xf32, #tpu.memory_space<vmem>> -> memref<16x1024xf32, #tpu.memory_space<vmem>>
    tpu.wait_dma2 semaphore(%dma_wait3A_173 : memref<!tpu.dma_semaphore, #tpu.memory_space<semaphore_mem>>) src(%dma_wait3A_180 : memref<16x1024xf32, #tpu.memory_space<vmem>>) dst(%dma_wait3A_176 : memref<16x1024xf32, #tpu.memory_space<hbm>>)
    %dma_wait3A_181 = arith.constant 0 : i32
    %dma_wait3A_182 = arith.constant 3 : i32
    %dma_wait3A_183 = arith.constant 0 : i32
    %dma_wait3A_184 = arith.constant 0 : i32
    %dma_wait3A_185 = tpu.memref_slice %arg8[%dma_wait3A_181, %dma_wait3A_183, %dma_wait3A_184] : memref<4x16x1024xf32, #tpu.memory_space<vmem>> -> memref<1x16x1024xf32, #tpu.memory_space<vmem>>
    %dma_wait3A_186 = tpu.memref_squeeze %dma_wait3A_185 : memref<1x16x1024xf32, #tpu.memory_space<vmem>> -> memref<16x1024xf32, #tpu.memory_space<vmem>>
    %dma_wait3A_187 = arith.constant 0 : i32
    %dma_wait3A_188 = arith.constant 0 : i32
    %dma_wait3A_189 = tpu.memref_slice %arg5[%dma_wait3A_187, %dma_wait3A_188] : memref<16384x1024xf32, #tpu.memory_space<hbm>> -> memref<16x1024xf32, #tpu.memory_space<hbm>>
    %dma_wait3A_190 = tpu.memref_slice %arg9[%dma_wait3A_182] : memref<4x!tpu.dma_semaphore, #tpu.memory_space<semaphore_mem>> -> memref<1x!tpu.dma_semaphore, #tpu.memory_space<semaphore_mem>>
    %dma_wait3A_191 = tpu.memref_squeeze %dma_wait3A_190 : memref<1x!tpu.dma_semaphore, #tpu.memory_space<semaphore_mem>> -> memref<!tpu.dma_semaphore, #tpu.memory_space<semaphore_mem>>
    %dma_wait3A_192 = arith.constant 0 : i32
    %dma_wait3A_193 = arith.constant 0 : i32
    %dma_wait3A_194 = tpu.memref_slice %arg5[%dma_wait3A_192, %dma_wait3A_193] : memref<16384x1024xf32, #tpu.memory_space<hbm>> -> memref<16x1024xf32, #tpu.memory_space<hbm>>
    %dma_wait3A_195 = arith.constant 0 : i32
    %dma_wait3A_196 = arith.constant 0 : i32
    %dma_wait3A_197 = tpu.memref_slice %arg8[%dma_wait3A_181, %dma_wait3A_195, %dma_wait3A_196] : memref<4x16x1024xf32, #tpu.memory_space<vmem>> -> memref<1x16x1024xf32, #tpu.memory_space<vmem>>
    %dma_wait3A_198 = tpu.memref_squeeze %dma_wait3A_197 : memref<1x16x1024xf32, #tpu.memory_space<vmem>> -> memref<16x1024xf32, #tpu.memory_space<vmem>>
    tpu.wait_dma2 semaphore(%dma_wait3A_191 : memref<!tpu.dma_semaphore, #tpu.memory_space<semaphore_mem>>) src(%dma_wait3A_198 : memref<16x1024xf32, #tpu.memory_space<vmem>>) dst(%dma_wait3A_194 : memref<16x1024xf32, #tpu.memory_space<hbm>>)
    return
  }
}

</mosaic_0001>

<sc_bundles>
// kernel: kernel.3.cloned.1.call-start
scs
__scs_entry_jumppad:
0x0: {  	(pc) =	sbr.rel $0x88, $3  }
0x1: {  	(tag) =	ssettag $0x0;
	lr =	simm.s32 $0x1  }
0x2: {  	[smem:$0x3F9F] =	sst lr;
	_ =	strace $0xD0000000  }
0x3: {  	_ = 	snop  }
0x4: {  	_ = 	snop  }
0x5: {  	_ = 	snop  }
0x6: {  	_ = 	snop  }
0x7: {  	_ = 	snop  }
__scs_overlays_trampoline_lowered:
0x8: {  	[smem:$0x3FAE] =	sst s0  }
0x9: {  	[smem:$0x3FAF] =	sst s1  }
0xa: {  	[smem:$0x3FB0] =	sst s2  }
0xb: {  	[smem:$0x3FB1] =	sst s3  }
0xc: {  	[smem:$0x3FB2] =	sst s4  }
0xd: {  	[smem:$0x3FB3] =	sst s5  }
0xe: {  	[smem:$0x3FB4] =	sst s6  }
0xf: {  	[smem:$0x3FB5] =	sst s7  }
0x10: {  	[smem:$0x3FB6] =	sst s8  }
0x11: {  	[smem:$0x3FB7] =	sst s9;
	s0 =	simm.s32 @!p0 $0x0  }
0x12: {  	s1 =	sld [smem:$0x3F9D];
	s0 =	simm.s32 @p0 $0x1  }
0x13: {  	[smem:$0x3FB8] =	sst s0;
	s0 =	simm.s32 @!p1 $0x0  }
0x14: {  	s2 =	sld [smem:$0x3F9C];
	s0 =	simm.s32 @p1 $0x1  }
0x15: {  	[smem:$0x3FB9] =	sst s0;
	s0 =	simm.s32 @!p2 $0x0  }
0x16: {  	s3 =	sld [smem:$0x3FDB];
	s0 =	simm.s32 @p2 $0x1  }
0x17: {  	s4 =	simm.s32 $0x1BF5;
	[smem:$0x3FBB] =	sst s0  }
0x18: {  	s0 =	sld [smem:$0x3F9E];
	_ =	swait.ge [sflag:s4], $0x0  }
0x19: {  	s7 =	sld [smem:$0x3F9F]  }
0x1a: {  	s8 =	sadd.s32 $0xFFFFE003, lr  }
0x1b: {  	s9 =	sadd.s32 $0xFFFFFEF7, lr;
	s5 =	simm.s32 $0xFFFFFFFF;
	p2 =	slt.u32 s8, $0xFFFFF086  }
0x1c: {  	p1 =	slt.u32 s9, $0xF7A;
	s5 =	simm.s32 @!p2 $0x0  }
0x1d: {  	s5 =	simm.s32 @p1 $0x1;
	p0 =	seq.s32 s7, s2  }
0x1e: {  	s7 =	smul.u32 @!p0 $0xF7A, s2;
	p2 =	seq.s32 @!p0 s5, $0x0  }
0x1f: {  	s9 =	smul.u32 $0xF7A, s1;
	s8 =	simm.s32 @!p0 $0x1BF5;
	p2 =	por !p2, p0  }
0x20: {  	[sflag:s8] =	ssyncset.s32 @!p0 $0xFFFFF086;
	s6 =	sadd.s32 @!p0 s3, s7;
	s7 =	simm.s32 @!p0 $0x108  }
0x21: {  	s3 =	sadd.s32 s3, s9;
	s6 =	sadd.s32 @!p0 $0x88, s6;
	s7 =	simm.s32 @p2 $0x1082  }
0x22: {  	[simem:s7], [sflag:s8] =	dma.local @!p0 [hbm:s6], $0xF7A  }
0x23: {  	s9 =	sor.u32 $0xD0000000, s2;
	s6 =	simm.s32 $0x108;
	_ =	swait.ge @!p0 [sflag:s8], $0x0  }
0x24: {  	s3 =	sadd.s32 $0x88, s3;
	s6 =	simm.s32 @!p1 $0x1082;
	[sflag:s4] =	ssyncset.s32 $0xFFFFF086  }
0x25: {  	[simem:s6], [sflag:s4] =	dma.local [hbm:s3], $0xF7A  }
0x26: {  	[smem:$0x3F9F] =	sst s1;
	(tag) =	ssettag s2;
	_ =	strace s9  }
0x27: {  	s1 =	sld [smem:$0x3FAF]  }
0x28: {  	s2 =	sld [smem:$0x3FB0]  }
0x29: {  	s4 =	sld [smem:$0x3FB2]  }
0x2a: {  	p0 =	seq.s32 s5, $0x0;
	s5 =	sld [smem:$0x3FB3]  }
0x2b: {  	s6 =	sld [smem:$0x3FB4]  }
0x2c: {  	s7 =	sld [smem:$0x3FB5]  }
0x2d: {  	s3 =	simm.s32 $0x108;
	s8 =	sld [smem:$0x3FB6]  }
0x2e: {  	s3 =	simm.s32 @!p0 $0x1082;
	s9 =	sld [smem:$0x3FB7]  }
0x2f: {  	lr =	sadd.s32 s0, s3;
	s0 =	sld [smem:$0x3FAE]  }
0x30: {  	s3 =	sld [smem:$0x3FB1]  }
0x31: {  	[smem:$0x3FBA] =	sst s10  }
0x32: {  	s10 =	sld [smem:$0x3FB8];
	_ =	sdelay $0x3  }
0x33: {  	p0 =	seq.s32 s10, $0x1;
	s10 =	sld [smem:$0x3FBA];
	_ =	sdelay $0x3  }
0x34: {  	[smem:$0x3FBA] =	sst s10  }
0x35: {  	s10 =	sld [smem:$0x3FB9];
	_ =	sdelay $0x3  }
0x36: {  	p1 =	seq.s32 s10, $0x1;
	s10 =	sld [smem:$0x3FBA];
	_ =	sdelay $0x3  }
0x37: {  	[smem:$0x3FBA] =	sst s10  }
0x38: {  	s10 =	sld [smem:$0x3FBB]  }
0x39: {  	_ = 	snop;
	(pc) =	sbr.ind lr, $3  }
0x3a: {  	_ = 	snop  }
0x3b: {  	_ = 	snop  }
0x3c: {  	p2 =	seq.s32 s10, $0x1;
	s10 =	sld [smem:$0x3FBA]  }
0x3d: {  	_ =	shalt  }
0x3e: {  	_ =	shalt  }
0x3f: {  	_ =	shalt  }
0x40: {  	_ =	shalt  }
0x41: {  	_ =	shalt  }
0x42: {  	_ =	shalt  }
0x43: {  	_ =	shalt  }
0x44: {  	_ =	shalt  }
0x45: {  	_ =	shalt  }
0x46: {  	_ =	shalt  }
0x47: {  	_ =	shalt  }
0x48: {  	_ =	shalt  }
0x49: {  	_ =	shalt  }
0x4a: {  	_ =	shalt  }
0x4b: {  	_ =	shalt  }
0x4c: {  	_ =	shalt  }
0x4d: {  	_ =	shalt  }
0x4e: {  	_ =	shalt  }
0x4f: {  	_ =	shalt  }
0x50: {  	_ =	shalt  }
0x51: {  	_ =	shalt  }
0x52: {  	_ =	shalt  }
0x53: {  	_ =	shalt  }
0x54: {  	_ =	shalt  }
0x55: {  	_ =	shalt  }
0x56: {  	_ =	shalt  }
0x57: {  	_ =	shalt  }
0x58: {  	_ =	shalt  }
0x59: {  	_ =	shalt  }
0x5a: {  	_ =	shalt  }
0x5b: {  	_ =	shalt  }
0x5c: {  	_ =	shalt  }
0x5d: {  	_ =	shalt  }
0x5e: {  	_ =	shalt  }
0x5f: {  	_ =	shalt  }
0x60: {  	_ =	shalt  }
0x61: {  	_ =	shalt  }
0x62: {  	_ =	shalt  }
0x63: {  	_ =	shalt  }
0x64: {  	_ =	shalt  }
0x65: {  	_ =	shalt  }
0x66: {  	_ =	shalt  }
0x67: {  	_ =	shalt  }
0x68: {  	_ =	shalt  }
0x69: {  	_ =	shalt  }
0x6a: {  	_ =	shalt  }
0x6b: {  	_ =	shalt  }
0x6c: {  	_ =	shalt  }
0x6d: {  	_ =	shalt  }
0x6e: {  	_ =	shalt  }
0x6f: {  	_ =	shalt  }
0x70: {  	_ =	shalt  }
0x71: {  	_ =	shalt  }
0x72: {  	_ =	shalt  }
0x73: {  	_ =	shalt  }
0x74: {  	_ =	shalt  }
0x75: {  	_ =	shalt  }
0x76: {  	_ =	shalt  }
0x77: {  	_ =	shalt  }
0x78: {  	_ =	shalt  }
0x79: {  	_ =	shalt  }
0x7a: {  	_ =	shalt  }
0x7b: {  	_ =	shalt  }
0x7c: {  	_ =	shalt  }
0x7d: {  	_ =	shalt  }
0x7e: {  	_ =	shalt  }
0x7f: {  	_ =	shalt  }
0x80: {  	_ =	shalt  }
0x81: {  	_ =	shalt  }
0x82: {  	_ =	shalt  }
0x83: {  	_ =	shalt  }
0x84: {  	_ =	shalt  }
0x85: {  	_ =	shalt  }
0x86: {  	_ =	shalt  }
0x87: {  	_ =	shalt  }
.Lfunc_end0:
.L_simem_size_0:
called_computation_lowered:
.L_overlay_start_0:
0x88: {  	s2 =	sld [smem:$0x3FD9]  }
0x89: {  	s3 =	sld [smem:$0x3FFE];
	_ =	sdelay $0x1  }
0x8a: {  	s1 =	srdreg.scid  }
0x8b: {  	s0 =	sand.u32 $0x1, s1  }
0x8c: {  	s17 =	sshll.u32 s0, $0xA;
	s2 =	sadd.s32 s3, s2  }
0x8d: {  	s2 =	sadd.s32 s2, s17  }
0x8e: {  	[smem:$0x3FC6] =	sst s2  }
0x8f: {  	_ = 	snop  }
0x90: {  	s2 =	sld [smem:$0x3FC9]  }
0x91: {  	s18 =	sld [smem:$0x3FC8]  }
0x92: {  	s4 =	sld [smem:$0x3FD0];
	(tm) =	ssettm $0x1  }
0x93: {  	s5 =	sld [smem:$0x3FFB];
	_ =	sdelay $0x3  }
0x94: {  	_ =	strace s5  }
0x95: {  	s5 =	sld [smem:$0x3FFC];
	_ =	sdelay $0x3  }
0x96: {  	_ =	strace s5  }
0x97: {  	s5 =	sld [smem:$0x3FFD];
	_ =	sdelay $0x3  }
0x98: {  	_ =	strace s5  }
0x99: {  	_ =	strace $0x8FFFFFFF  }
0x9a: {  	s19 =	sld [smem:$0x3FDB];
	_ =	sdelay $0x1  }
0x9b: {  	s6 =	simm.s32 $_scs_section_size  }
0x9c: {  	s7 =	simm.s32 $_size__tile_overlayer_lowered;
	s8 =	simm.s32 $_tile_overlayer_lowered  }
0x9d: {  	s22 =	simm.s32 $0x1BFF;
	s21 =	sshll.u32 s8, $0x1;
	s5 =	sadd.s32 s6, s19  }
0x9e: {  	s9 =	simm.s32 $0x0;
	s20 =	sshll.u32 s7, $0x1;
	s7 =	sadd.s32 s21, s5  }
0x9f: {  	[timem:s9], [sflag:s22] =	dma.local [hbm:s7], s20  }
0xa0: {  	_ =	swait.ge [sflag:s22], s20  }
0xa1: {  	s6 =	ssub.s32 $0x0, s20;
	[sflag:s22] =	ssyncset.done $0x0  }
0xa2: {  	[sflag:s22] =	ssyncadd.s32 s6;
	_ =	sdelay $0x1  }
0xa3: {  	s23 =	simm.s32 $0x1B8B  }
0xa4: {  	_ =	swait.ge [sflag:s23], $0x1  }
0xa5: {  	[sflag:s23] =	ssyncset.done $0x0  }
0xa6: {  	s25 =	simm.s32 $0x1B8E;
	s24 =	sld [smem:$0x3FFE];
	[sflag:s23] =	ssyncadd.s32 $0xFFFFFFFF  }
0xa7: {  	s26 =	simm.s32 $execute0_lowered;
	[smem:$0x3FD2] =	sst s25  }
0xa8: {  	s7 =	sshll.u32 s26, $0x1;
	_ =	strace $0x80000046;
	[dreg:$0x1] =	wrdreg $0xFFFFFFFF  }
0xa9: {  	s28 =	simm.s32 $_size_execute0_lowered;
	s5 =	sadd.s32 s5, s7;
	[dreg:$0x0] =	wrdreg $0x0  }
0xaa: {  	s7 =	sshll.u32 s28, $0x1;
	[dreg:$0x2] =	wrdreg s5  }
0xab: {  	[dreg:$0x3] =	wrdreg s7  }
0xac: {  	[dreg:$0x4] =	wrdreg $0xC0  }
0xad: {  	_ =	task [dreg:s9], $0x5FFFF  }
0xae: {  	[dreg:$0x1] =	wrdreg $0xFFFFFFFF  }
0xaf: {  	[dreg:$0x0] =	wrdreg $0x60  }
0xb0: {  	[dreg:$0x2] =	wrdreg s18  }
0xb1: {  	[dreg:$0x3] =	wrdreg s2  }
0xb2: {  	[dreg:$0x4] =	wrdreg s24  }
0xb3: {  	[dreg:$0x5] =	wrdreg s4  }
0xb4: {  	[dreg:$0x6] =	wrdreg $0x9  }
0xb5: {  	_ =	task.clear_ibuf [dreg:s9], $0x7FFFF;
	_ =	strace $0x90000046  }
0xb6: {  	s29 =	simm.s32 $0x9;
	_ =	strace $0x80000048  }
0xb7: {  	_ =	swait.ge [sflag:s29], $0x1  }
0xb8: {  	[sflag:s29] =	ssyncadd.s32 $0xFFFFFFFF  }
0xb9: {  	_ =	strace $0x90000048  }
0xba: {  	_ =	sfence  }
0xbb: {  	s30 =	sld [smem:$0x0];
	_ =	sdelay $0x2  }
0xbc: {  	s31 =	sshll.u32 s1, $0xD;
	s1 =	sshrl.u32 s1, $0x2  }
0xbd: {  	s3 =	sand.u32 $0x4000, s31;
	s1 =	sadd.s32 s1, s30  }
0xbe: {  	s0 =	sor.u32 s3, s0;
	s1 =	sshll.u32 s1, $0x11  }
0xbf: {  	s0 =	sor.u32 s1, s0  }
0xc0: {  	s0 =	sadd.s32 $0x8F2B, s0  }
0xc1: {  	[sflag:s0] =	ssyncadd.remote.s32 $0x1  }
0xc2: {  	_ =	sfence.sel $0xFFFF  }
0xc3: {  	[dreg:$0x0] =	wrdreg $0xFFFFFFFF;
	(pc) =	sbr.abs _section_cstart, $3  }
0xc4: {  	[dreg:$0x1] =	wrdreg $0xFFFFFFFF  }
0xc5: {  	_ =	task.clear_ibuf [dreg:s9], $0x2FFFF;
	_ =	strace $0x9FFFFFFF  }
0xc6: {  	(tm) =	ssettm $0x7FFFFFFF  }
0xc7: {  	_ =	shalt  }
tec
execute0_lowered:
.L_overlay_start_1:
0x0: {  	(tag) =	ssettag $0x1  }
0x1: {  	s1 =	rddreg [dreg:$0x0]  }
0x2: {  	s0 =	rddreg [dreg:$0x1]  }
0x3: {  	s2 =	rddreg [dreg:$0x2]  }
0x4: {  	s12 =	rddreg [dreg:$0x3]  }
0x5: {  	s4 =	srdreg.scid;
	s3 =	simm.s32 $0x0;
	s5 =	stileid.u32  }
0x6: {  	s17 =	simm.s32 $0x5;
	s16 =	simm.s32 $0x3;
	s18 =	simm.s32 $0x4  }
0x7: {  	s19 =	simm.s32 $0x0;
	s4 =	sand.u32 $0x1, s4;
	[smem:$0x7FF] =	sst s3  }
0x8: {  	s5 =	sshll.u32 s5, $0x8;
	s9 =	sadd.s32 $0x100, s1;
	s10 =	sadd.s32 $0x200, s1  }
0x9: {  	s11 =	sadd.s32 $0x300, s1;
	s6 =	sshll.u32 s4, $0x7;
	s4 =	ssub.s32 $0x2, s4  }
0xa: {  	_ =	strace $0x80000047;
	s5 =	sor.u32 s6, s5;
	s31 =	sshrl.u32 s4, $0x1  }
0xb: {  	s13 =	sshll.u32 s5, $0x7;
	s5 =	sshrl.u32 s5, $0x1;
	s14 =	ssub.s32 s4, s31  }
0xc: {  	v2 =	vlaneseq.u32;
	s2 =	sadd.s32 s13, s2;
	s4 =	sadd.s32 s0, s5;
	s12 =	sadd.s32 s12, s13  }
0xd: {  	vm0 =	vmmov $0xffff;
	v1 =	vshrl.u32 v2, $0x3;
	s13 =	smax.u32 s14, $0x1;
	s0 =	sadd.s32 $0x10, s4;
	s6 =	sadd.s32 $0x20, s4  }
0xe: {  	v0 =	vand.u32 $0x7, v2;
	v2 =	vor.u32 $0x8, v2;
	v1 =	vmul.u32 $0x8, v1;
	s7 =	sadd.s32 $0x30, s4;
	s8 =	sadd.s32 $0x400, s2;
	[dreg:$0x5] =	wrdreg s0  }
.LBB2_1:
0xf: {  	[tilespmem:s3], [sflag:$0x5] =	stream.linear.gather [hbm4b:s4+s3], $0x80, $0x38;
	[tilespmem:$0x18200] =	vst v63  }
0x10: {  	s0 =	rddreg [dreg:$0x5];
	s2 =	simm.s32 $0x80  }
0x11: {  	[tilespmem:s2], [sflag:$0x5] =	stream.linear.gather [hbm4b:s0+s3], $0x80, $0x38;
	[tilespmem:$0x18200] =	vst v63  }
0x12: {  	s28 =	simm.s32 $0x100  }
0x13: {  	[tilespmem:s28], [sflag:$0x5] =	stream.linear.gather [hbm4b:s6+s3], $0x80, $0x38;
	[tilespmem:$0x18200] =	vst v63  }
0x14: {  	s29 =	simm.s32 $0x180  }
0x15: {  	[tilespmem:s29], [sflag:$0x5] =	stream.linear.gather [hbm4b:s7+s3], $0x80, $0x38;
	[tilespmem:$0x18200] =	vst v63  }
0x16: {  	_ =	swait.ge [sflag:s17], $0x80  }
0x17: {  	[sflag:s17] =	ssyncset.done $0x0  }
0x18: {  	[sflag:s17] =	ssyncadd.s32 $0xFFFFFF80  }
0x19: {  	_ =	swait.ge [sflag:s17], $0x80  }
0x1a: {  	[sflag:s17] =	ssyncset.done $0x0  }
0x1b: {  	[sflag:s17] =	ssyncadd.s32 $0xFFFFFF80  }
0x1c: {  	_ =	swait.ge [sflag:s17], $0x80  }
0x1d: {  	[sflag:s17] =	ssyncset.done $0x0  }
0x1e: {  	[sflag:s17] =	ssyncadd.s32 $0xFFFFFF80  }
0x1f: {  	_ =	swait.ge [sflag:s17], $0x80  }
0x20: {  	[sflag:s17] =	ssyncset.done $0x0  }
0x21: {  	s30 =	simm.s32 $0x200;
	[sflag:s17] =	ssyncadd.s32 $0xFFFFFF80  }
0x22: {  	[tilespmem:s30], [sflag:$0x5] =	stream.linear.gather [hbm4b:s8+s3], $0x4000, $0x38;
	[tilespmem:$0x18200] =	vst v63  }
0x23: {  	v3 =	vld [tilespmem:$0x0];
	_ =	sdelay $0x4  }
0x24: {  	v4 =	vshll.u32 v3, $0x3  }
0x25: {  	v3 =	vand.u32 $0x7, v3;
	v4 =	vand.u32 $0xFFFFFFC0, v4  }
0x26: {  	v3 =	vor.u32 v3, v4  }
0x27: {  	v4 =	vperm.xlane v3, v0;
	_ =	sdelay $0x1  }
0x28: {  	v4 =	vadd.s32 v1, v4;
	_ =	sdelay $0x3  }
0x29: {  	s31 =	simm.s32 $0x8200  }
0x2a: {  	[tilespmem:s31], [sflag:$0x1] =	stream.indirect_vreg.gather [hbm4b:s1+s3], $0x80, v4, vm0, $0xb8;
	[tilespmem:$0x18200] =	vst v63  }
0x2b: {  	s2 =	simm.s32 $0x8A00;
	v3 =	vperm.xlane v3, v2  }
0x2c: {  	[tilespmem:s2], [sflag:$0x1] =	stream.indirect_vreg.gather [hbm4b:s9+s3], $0x80, v4, vm0, $0xb8;
	[tilespmem:$0x18200] =	vst v63  }
0x2d: {  	s5 =	simm.s32 $0x9200;
	v3 =	vadd.s32 v1, v3  }
0x2e: {  	[tilespmem:s5], [sflag:$0x1] =	stream.indirect_vreg.gather [hbm4b:s10+s3], $0x80, v4, vm0, $0xb8;
	[tilespmem:$0x18200] =	vst v63  }
0x2f: {  	s14 =	simm.s32 $0x9A00  }
0x30: {  	[tilespmem:s14], [sflag:$0x1] =	stream.indirect_vreg.gather [hbm4b:s11+s3], $0x80, v4, vm0, $0xb8;
	[tilespmem:$0x18200] =	vst v63  }
0x31: {  	s15 =	simm.s32 $0xA200  }
0x32: {  	[tilespmem:s15], [sflag:$0x1] =	stream.indirect_vreg.gather [hbm4b:s1+s3], $0x80, v3, vm0, $0xb8;
	[tilespmem:$0x18200] =	vst v63  }
0x33: {  	s20 =	simm.s32 $0xAA00  }
0x34: {  	[tilespmem:s20], [sflag:$0x1] =	stream.indirect_vreg.gather [hbm4b:s9+s3], $0x80, v3, vm0, $0xb8;
	[tilespmem:$0x18200] =	vst v63  }
0x35: {  	s21 =	simm.s32 $0xB200  }
0x36: {  	[tilespmem:s21], [sflag:$0x1] =	stream.indirect_vreg.gather [hbm4b:s10+s3], $0x80, v3, vm0, $0xb8;
	[tilespmem:$0x18200] =	vst v63  }
0x37: {  	s22 =	simm.s32 $0xBA00  }
0x38: {  	[tilespmem:s22], [sflag:$0x1] =	stream.indirect_vreg.gather [hbm4b:s11+s3], $0x80, v3, vm0, $0xb8;
	[tilespmem:$0x18200] =	vst v63  }
0x39: {  	v3 =	vld [tilespmem:$0x80];
	_ =	sdelay $0x4  }
0x3a: {  	v63 =	vshll.u32 v3, $0x3  }
0x3b: {  	v3 =	vand.u32 $0x7, v3;
	v4 =	vand.u32 $0xFFFFFFC0, v63  }
0x3c: {  	v3 =	vor.u32 v3, v4  }
0x3d: {  	v4 =	vperm.xlane v3, v0;
	_ =	sdelay $0x1  }
0x3e: {  	v4 =	vadd.s32 v1, v4;
	_ =	sdelay $0x3  }
0x3f: {  	s23 =	simm.s32 $0xC200  }
0x40: {  	[tilespmem:s23], [sflag:$0x2] =	stream.indirect_vreg.gather [hbm4b:s1+s3], $0x80, v4, vm0, $0xb8;
	[tilespmem:$0x18200] =	vst v63  }
0x41: {  	s24 =	simm.s32 $0xCA00;
	v3 =	vperm.xlane v3, v2  }
0x42: {  	[tilespmem:s24], [sflag:$0x2] =	stream.indirect_vreg.gather [hbm4b:s9+s3], $0x80, v4, vm0, $0xb8;
	[tilespmem:$0x18200] =	vst v63  }
0x43: {  	s25 =	simm.s32 $0xD200;
	v3 =	vadd.s32 v1, v3  }
0x44: {  	[tilespmem:s25], [sflag:$0x2] =	stream.indirect_vreg.gather [hbm4b:s10+s3], $0x80, v4, vm0, $0xb8;
	[tilespmem:$0x18200] =	vst v63  }
0x45: {  	s26 =	simm.s32 $0xDA00  }
0x46: {  	[tilespmem:s26], [sflag:$0x2] =	stream.indirect_vreg.gather [hbm4b:s11+s3], $0x80, v4, vm0, $0xb8;
	[tilespmem:$0x18200] =	vst v63  }
0x47: {  	s28 =	simm.s32 $0xE200  }
0x48: {  	[tilespmem:s28], [sflag:$0x2] =	stream.indirect_vreg.gather [hbm4b:s1+s3], $0x80, v3, vm0, $0xb8;
	[tilespmem:$0x18200] =	vst v63  }
0x49: {  	s29 =	simm.s32 $0xEA00  }
0x4a: {  	[tilespmem:s29], [sflag:$0x2] =	stream.indirect_vreg.gather [hbm4b:s9+s3], $0x80, v3, vm0, $0xb8;
	[tilespmem:$0x18200] =	vst v63  }
0x4b: {  	s30 =	simm.s32 $0xF200  }
0x4c: {  	[tilespmem:s30], [sflag:$0x2] =	stream.indirect_vreg.gather [hbm4b:s10+s3], $0x80, v3, vm0, $0xb8;
	[tilespmem:$0x18200] =	vst v63  }
0x4d: {  	s31 =	simm.s32 $0xFA00;
	s20 =	simm.s32 $0x0  }
0x4e: {  	[tilespmem:s31], [sflag:$0x2] =	stream.indirect_vreg.gather [hbm4b:s11+s3], $0x80, v3, vm0, $0xb8;
	[tilespmem:$0x18200] =	vst v63  }
.LBB2_2:
0x4f: {  	s2 =	sadd.s32 $0x2, s20  }
0x50: {  	p0 =	slt.u32 s20, $0x2;
	s0 =	sand.u32 $0x3, s2  }
0x51: {  	p1 =	sgt.u32 @!p0 s20, $0x1D;
	s14 =	sadd.s32 @!p0 $0x1, s0  }
0x52: {  	p1 =	por p0, !p1;
	_ =	swait.ge @!p0 [sflag:s14], $0x4000  }
0x53: {  	s2 =	sshll.u32 @p1 s2, $0x2;
	[sflag:s14] =	ssyncset.done @!p0 $0x0  }
0x54: {  	s15 =	sshll.u32 @p1 s0, $0x7;
	[sflag:s14] =	ssyncadd.s32 @!p0 $0xFFFFC000;
	s14 =	sand.u32 @p1 $0x80, s2  }
0x55: {  	s2 =	sand.u32 @p1 $0x70, s2;
	s14 =	sadd.s32 @p1 s14, s15  }
0x56: {  	s2 =	sor.u32 @p1 s2, s14  }
0x57: {  	v3 =	vld @p1 [tilespmem:s2+$0x0];
	_ =	sdelay $0x4  }
0x58: {  	v4 =	vshll.u32 @p1 v3, $0x3  }
0x59: {  	v3 =	vand.u32 @p1 $0x7, v3;
	v4 =	vand.u32 @p1 $0xFFFFFFC0, v4  }
0x5a: {  	v3 =	vor.u32 @p1 v3, v4  }
0x5b: {  	v4 =	vperm.xlane @p1 v3, v0;
	_ =	sdelay $0x1  }
0x5c: {  	v4 =	vadd.s32 @p1 v1, v4;
	_ =	sdelay $0x2  }
0x5d: {  	s2 =	sshll.u32 @p1 s0, $0xE  }
0x5e: {  	s0 =	sadd.s32 @p1 $0x1, s0;
	s14 =	sadd.s32 @p1 $0x8200, s2  }
0x5f: {  	[tilespmem:s14], [sflag:s0] =	stream.indirect_vreg.gather @p1 [hbm4b:s1+s3], $0x80, v4, vm0, $0xb8;
	[tilespmem:$0x18200] =	vst v63  }
0x60: {  	v3 =	vperm.xlane @p1 v3, v2;
	s14 =	sadd.s32 @p1 $0x8A00, s2  }
0x61: {  	[tilespmem:s14], [sflag:s0] =	stream.indirect_vreg.gather @p1 [hbm4b:s9+s3], $0x80, v4, vm0, $0xb8;
	[tilespmem:$0x18200] =	vst v63  }
0x62: {  	v3 =	vadd.s32 @p1 v1, v3;
	s14 =	sadd.s32 @p1 $0x9200, s2  }
0x63: {  	[tilespmem:s14], [sflag:s0] =	stream.indirect_vreg.gather @p1 [hbm4b:s10+s3], $0x80, v4, vm0, $0xb8;
	[tilespmem:$0x18200] =	vst v63  }
0x64: {  	s14 =	sadd.s32 @p1 $0x9A00, s2  }
0x65: {  	[tilespmem:s14], [sflag:s0] =	stream.indirect_vreg.gather @p1 [hbm4b:s11+s3], $0x80, v4, vm0, $0xb8;
	[tilespmem:$0x18200] =	vst v63  }
0x66: {  	s14 =	sadd.s32 @p1 $0xA200, s2  }
0x67: {  	[tilespmem:s14], [sflag:s0] =	stream.indirect_vreg.gather @p1 [hbm4b:s1+s3], $0x80, v3, vm0, $0xb8;
	[tilespmem:$0x18200] =	vst v63  }
0x68: {  	s14 =	sadd.s32 @p1 $0xAA00, s2  }
0x69: {  	[tilespmem:s14], [sflag:s0] =	stream.indirect_vreg.gather @p1 [hbm4b:s9+s3], $0x80, v3, vm0, $0xb8;
	[tilespmem:$0x18200] =	vst v63  }
0x6a: {  	s21 =	sand.u32 $0x3, s20;
	s14 =	sadd.s32 @p1 $0xB200, s2  }
0x6b: {  	[tilespmem:s14], [sflag:s0] =	stream.indirect_vreg.gather @p1 [hbm4b:s10+s3], $0x80, v3, vm0, $0xb8;
	[tilespmem:$0x18200] =	vst v63  }
0x6c: {  	p0 =	sne.s32 s21, $0x0;
	s2 =	sadd.s32 @p1 $0xBA00, s2  }
0x6d: {  	[tilespmem:s2], [sflag:s0] =	stream.indirect_vreg.gather @p1 [hbm4b:s11+s3], $0x80, v3, vm0, $0xb8;
	[tilespmem:$0x18200] =	vst v63  }
0x6e: {  	p1 =	sgt.u32 @!p0 s20, $0x1B  }
0x6f: {  	s22 =	sshrl.u32 s20, $0x2;
	s0 =	simm.s32 @!p0 $0x5;
	p1 =	por p1, p0  }
0x70: {  	_ =	swait.ge @!p0 [sflag:s0], $0x4000;
	s2 =	sadd.s32 @!p1 $0x1, s22  }
0x71: {  	s24 =	sshll.u32 s22, $0xE;
	[sflag:s0] =	ssyncset.done @!p0 $0x0;
	s14 =	sshll.u32 @!p1 s2, $0xE  }
0x72: {  	[sflag:s0] =	ssyncadd.s32 @!p0 $0xFFFFC000;
	s0 =	sshll.u32 @!p1 s2, $0xB;
	s2 =	sand.u32 @!p1 $0x4000, s14  }
0x73: {  	s0 =	sadd.s32 @!p1 s0, s8;
	s14 =	simm.s32 @!p1 $0x0;
	s2 =	sor.u32 @!p1 $0x200, s2  }
0x74: {  	[tilespmem:s2], [sflag:$0x5] =	stream.linear.gather @!p1 [hbm4b:s0+s14], $0x4000, $0x38;
	[tilespmem:$0x18200] =	vst v63  }
0x75: {  	s25 =	simm.s32 $0x0;
	s23 =	sadd.s32 $0x1, s21;
	s0 =	sand.u32 $0x4000, s24  }
0x76: {  	s26 =	sand.u32 $0x2000, s25;
	_ =	swait.ge [sflag:s23], $0x4000;
	s31 =	sor.u32 $0x200, s0  }
0x77: {  	s2 =	sand.u32 $0x380, s25;
	[sflag:s23] =	ssyncset.done $0x0;
	s0 =	sadd.s32 s26, s31  }
0x78: {  	[sflag:s23] =	ssyncadd.s32 $0xFFFFC000;
	s0 =	sadd.s32 s2, s0  }
0x79: {  	v3 =	vld [tilespmem:s0+$0x0]  }
0x7a: {  	s5 =	sshll.u32 s21, $0xE  }
0x7b: {  	s24 =	sadd.s32 $0x8200, s5  }
0x7c: {  	s14 =	sadd.s32 s26, s24  }
0x7d: {  	s25 =	sadd.s32 s2, s14  }
0x7e: {  	[tilespmem:s25+$0x0] =	vst.add.f32.msk $0xffff, v3  }
0x7f: {  	v3 =	vld [tilespmem:s0+$0x10];
	_ =	sdelay $0x4  }
0x80: {  	[tilespmem:s25+$0x10] =	vst.add.f32.msk $0xffff, v3  }
0x81: {  	v3 =	vld [tilespmem:s0+$0x20];
	_ =	sdelay $0x4  }
0x82: {  	[tilespmem:s25+$0x20] =	vst.add.f32.msk $0xffff, v3  }
0x83: {  	v3 =	vld [tilespmem:s0+$0x30];
	_ =	sdelay $0x4  }
0x84: {  	[tilespmem:s25+$0x30] =	vst.add.f32.msk $0xffff, v3  }
0x85: {  	v3 =	vld [tilespmem:s0+$0x40];
	_ =	sdelay $0x4  }
0x86: {  	[tilespmem:s25+$0x40] =	vst.add.f32.msk $0xffff, v3  }
0x87: {  	v3 =	vld [tilespmem:s0+$0x50];
	_ =	sdelay $0x4  }
0x88: {  	[tilespmem:s25+$0x50] =	vst.add.f32.msk $0xffff, v3  }
0x89: {  	v3 =	vld [tilespmem:s0+$0x60];
	_ =	sdelay $0x4  }
0x8a: {  	[tilespmem:s25+$0x60] =	vst.add.f32.msk $0xffff, v3  }
0x8b: {  	v3 =	vld [tilespmem:s0+$0x70];
	_ =	sdelay $0x4  }
0x8c: {  	[tilespmem:s25+$0x70] =	vst.add.f32.msk $0xffff, v3  }
0x8d: {  	v3 =	vld [tilespmem:s0+$0x400];
	_ =	sdelay $0x4  }
0x8e: {  	[tilespmem:s25+$0x400] =	vst.add.f32.msk $0xffff, v3  }
0x8f: {  	v3 =	vld [tilespmem:s0+$0x410];
	_ =	sdelay $0x4  }
0x90: {  	[tilespmem:s25+$0x410] =	vst.add.f32.msk $0xffff, v3  }
0x91: {  	v3 =	vld [tilespmem:s0+$0x420];
	_ =	sdelay $0x4  }
0x92: {  	[tilespmem:s25+$0x420] =	vst.add.f32.msk $0xffff, v3  }
0x93: {  	v3 =	vld [tilespmem:s0+$0x430];
	_ =	sdelay $0x4  }
0x94: {  	[tilespmem:s25+$0x430] =	vst.add.f32.msk $0xffff, v3  }
0x95: {  	v3 =	vld [tilespmem:s0+$0x440];
	_ =	sdelay $0x4  }
0x96: {  	[tilespmem:s25+$0x440] =	vst.add.f32.msk $0xffff, v3  }
0x97: {  	v3 =	vld [tilespmem:s0+$0x450];
	_ =	sdelay $0x4  }
0x98: {  	[tilespmem:s25+$0x450] =	vst.add.f32.msk $0xffff, v3  }
0x99: {  	v3 =	vld [tilespmem:s0+$0x460];
	_ =	sdelay $0x4  }
0x9a: {  	[tilespmem:s25+$0x460] =	vst.add.f32.msk $0xffff, v3  }
0x9b: {  	v3 =	vld [tilespmem:s0+$0x470];
	_ =	sdelay $0x4  }
0x9c: {  	[tilespmem:s25+$0x470] =	vst.add.f32.msk $0xffff, v3  }
0x9d: {  	v3 =	vld [tilespmem:s0+$0x800];
	_ =	sdelay $0x4  }
0x9e: {  	[tilespmem:s25+$0x800] =	vst.add.f32.msk $0xffff, v3  }
0x9f: {  	v3 =	vld [tilespmem:s0+$0x810];
	_ =	sdelay $0x4  }
0xa0: {  	[tilespmem:s25+$0x810] =	vst.add.f32.msk $0xffff, v3  }
0xa1: {  	v3 =	vld [tilespmem:s0+$0x820];
	_ =	sdelay $0x4  }
0xa2: {  	[tilespmem:s25+$0x820] =	vst.add.f32.msk $0xffff, v3  }
0xa3: {  	v3 =	vld [tilespmem:s0+$0x830];
	_ =	sdelay $0x4  }
0xa4: {  	[tilespmem:s25+$0x830] =	vst.add.f32.msk $0xffff, v3  }
0xa5: {  	v3 =	vld [tilespmem:s0+$0x840];
	_ =	sdelay $0x3  }
0xa6: {  	s15 =	simm.s32 $0x400  }
0xa7: {  	s26 =	simm.s32 $0x80;
	s2 =	sand.u32 $0x2000, s15;
	[tilespmem:s25+$0x840] =	vst.add.f32.msk $0xffff, v3  }
0xa8: {  	s14 =	sand.u32 $0x380, s26;
	s5 =	sadd.s32 s2, s31;
	v3 =	vld [tilespmem:s0+$0x850]  }
0xa9: {  	s28 =	sadd.s32 s14, s5  }
0xaa: {  	v4 =	vld [tilespmem:s28+$0x0];
	_ =	sdelay $0x2  }
0xab: {  	s2 =	sadd.s32 s2, s24;
	[tilespmem:s25+$0x850] =	vst.add.f32.msk $0xffff, v3  }
0xac: {  	s26 =	sadd.s32 s14, s2;
	v3 =	vld [tilespmem:s0+$0x860]  }
0xad: {  	[tilespmem:s26+$0x0] =	vst.add.f32.msk $0xffff, v4  }
0xae: {  	v4 =	vld [tilespmem:s28+$0x10];
	_ =	sdelay $0x2  }
0xaf: {  	[tilespmem:s25+$0x860] =	vst.add.f32.msk $0xffff, v3  }
0xb0: {  	v3 =	vld [tilespmem:s0+$0x870]  }
0xb1: {  	[tilespmem:s26+$0x10] =	vst.add.f32.msk $0xffff, v4  }
0xb2: {  	v4 =	vld [tilespmem:s28+$0x20];
	_ =	sdelay $0x2  }
0xb3: {  	[tilespmem:s25+$0x870] =	vst.add.f32.msk $0xffff, v3  }
0xb4: {  	v3 =	vld [tilespmem:s0+$0xC00]  }
0xb5: {  	[tilespmem:s26+$0x20] =	vst.add.f32.msk $0xffff, v4  }
0xb6: {  	v4 =	vld [tilespmem:s28+$0x30];
	_ =	sdelay $0x2  }
0xb7: {  	[tilespmem:s25+$0xC00] =	vst.add.f32.msk $0xffff, v3  }
0xb8: {  	v3 =	vld [tilespmem:s0+$0xC10]  }
0xb9: {  	[tilespmem:s26+$0x30] =	vst.add.f32.msk $0xffff, v4  }
0xba: {  	v4 =	vld [tilespmem:s28+$0x40];
	_ =	sdelay $0x2  }
0xbb: {  	[tilespmem:s25+$0xC10] =	vst.add.f32.msk $0xffff, v3  }
0xbc: {  	v3 =	vld [tilespmem:s0+$0xC20]  }
0xbd: {  	[tilespmem:s26+$0x40] =	vst.add.f32.msk $0xffff, v4  }
0xbe: {  	v4 =	vld [tilespmem:s28+$0x50];
	_ =	sdelay $0x2  }
0xbf: {  	[tilespmem:s25+$0xC20] =	vst.add.f32.msk $0xffff, v3  }
0xc0: {  	v3 =	vld [tilespmem:s0+$0xC30]  }
0xc1: {  	[tilespmem:s26+$0x50] =	vst.add.f32.msk $0xffff, v4  }
0xc2: {  	v4 =	vld [tilespmem:s28+$0x60];
	_ =	sdelay $0x2  }
0xc3: {  	[tilespmem:s25+$0xC30] =	vst.add.f32.msk $0xffff, v3  }
0xc4: {  	v3 =	vld [tilespmem:s0+$0xC40]  }
0xc5: {  	[tilespmem:s26+$0x60] =	vst.add.f32.msk $0xffff, v4  }
0xc6: {  	v4 =	vld [tilespmem:s28+$0x70];
	_ =	sdelay $0x2  }
0xc7: {  	[tilespmem:s25+$0xC40] =	vst.add.f32.msk $0xffff, v3  }
0xc8: {  	v3 =	vld [tilespmem:s0+$0xC50]  }
0xc9: {  	[tilespmem:s26+$0x70] =	vst.add.f32.msk $0xffff, v4  }
0xca: {  	v4 =	vld [tilespmem:s28+$0x400];
	_ =	sdelay $0x2  }
0xcb: {  	[tilespmem:s25+$0xC50] =	vst.add.f32.msk $0xffff, v3  }
0xcc: {  	v3 =	vld [tilespmem:s0+$0xC60]  }
0xcd: {  	[tilespmem:s26+$0x400] =	vst.add.f32.msk $0xffff, v4  }
0xce: {  	v4 =	vld [tilespmem:s28+$0x410];
	_ =	sdelay $0x2  }
0xcf: {  	[tilespmem:s25+$0xC60] =	vst.add.f32.msk $0xffff, v3  }
0xd0: {  	v3 =	vld [tilespmem:s0+$0xC70]  }
0xd1: {  	[tilespmem:s26+$0x410] =	vst.add.f32.msk $0xffff, v4  }
0xd2: {  	v4 =	vld [tilespmem:s28+$0x420];
	_ =	sdelay $0x2  }
0xd3: {  	[tilespmem:s25+$0xC70] =	vst.add.f32.msk $0xffff, v3  }
0xd4: {  	v3 =	vld [tilespmem:s0+$0x1000]  }
0xd5: {  	[tilespmem:s26+$0x420] =	vst.add.f32.msk $0xffff, v4  }
0xd6: {  	v4 =	vld [tilespmem:s28+$0x430];
	_ =	sdelay $0x2  }
0xd7: {  	[tilespmem:s25+$0x1000] =	vst.add.f32.msk $0xffff, v3  }
0xd8: {  	v3 =	vld [tilespmem:s0+$0x1010]  }
0xd9: {  	[tilespmem:s26+$0x430] =	vst.add.f32.msk $0xffff, v4  }
0xda: {  	v4 =	vld [tilespmem:s28+$0x440];
	_ =	sdelay $0x2  }
0xdb: {  	[tilespmem:s25+$0x1010] =	vst.add.f32.msk $0xffff, v3  }
0xdc: {  	v3 =	vld [tilespmem:s0+$0x1020]  }
0xdd: {  	[tilespmem:s26+$0x440] =	vst.add.f32.msk $0xffff, v4  }
0xde: {  	v4 =	vld [tilespmem:s28+$0x450];
	_ =	sdelay $0x2  }
0xdf: {  	[tilespmem:s25+$0x1020] =	vst.add.f32.msk $0xffff, v3  }
0xe0: {  	v3 =	vld [tilespmem:s0+$0x1030]  }
0xe1: {  	[tilespmem:s26+$0x450] =	vst.add.f32.msk $0xffff, v4  }
0xe2: {  	v4 =	vld [tilespmem:s28+$0x460];
	_ =	sdelay $0x2  }
0xe3: {  	[tilespmem:s25+$0x1030] =	vst.add.f32.msk $0xffff, v3  }
0xe4: {  	v3 =	vld [tilespmem:s0+$0x1040]  }
0xe5: {  	[tilespmem:s26+$0x460] =	vst.add.f32.msk $0xffff, v4  }
0xe6: {  	v4 =	vld [tilespmem:s28+$0x470];
	_ =	sdelay $0x2  }
0xe7: {  	[tilespmem:s25+$0x1040] =	vst.add.f32.msk $0xffff, v3  }
0xe8: {  	v3 =	vld [tilespmem:s0+$0x1050]  }
0xe9: {  	[tilespmem:s26+$0x470] =	vst.add.f32.msk $0xffff, v4  }
0xea: {  	v4 =	vld [tilespmem:s28+$0x800];
	_ =	sdelay $0x2  }
0xeb: {  	[tilespmem:s25+$0x1050] =	vst.add.f32.msk $0xffff, v3  }
0xec: {  	v3 =	vld [tilespmem:s0+$0x1060]  }
0xed: {  	[tilespmem:s26+$0x800] =	vst.add.f32.msk $0xffff, v4  }
0xee: {  	v4 =	vld [tilespmem:s28+$0x810];
	_ =	sdelay $0x2  }
0xef: {  	[tilespmem:s25+$0x1060] =	vst.add.f32.msk $0xffff, v3  }
0xf0: {  	v3 =	vld [tilespmem:s0+$0x1070]  }
0xf1: {  	[tilespmem:s26+$0x810] =	vst.add.f32.msk $0xffff, v4  }
0xf2: {  	v4 =	vld [tilespmem:s28+$0x820];
	_ =	sdelay $0x2  }
0xf3: {  	[tilespmem:s25+$0x1070] =	vst.add.f32.msk $0xffff, v3  }
0xf4: {  	v3 =	vld [tilespmem:s0+$0x1400]  }
0xf5: {  	[tilespmem:s26+$0x820] =	vst.add.f32.msk $0xffff, v4  }
0xf6: {  	v4 =	vld [tilespmem:s28+$0x830];
	_ =	sdelay $0x2  }
0xf7: {  	[tilespmem:s25+$0x1400] =	vst.add.f32.msk $0xffff, v3  }
0xf8: {  	v3 =	vld [tilespmem:s0+$0x1410]  }
0xf9: {  	[tilespmem:s26+$0x830] =	vst.add.f32.msk $0xffff, v4  }
0xfa: {  	v4 =	vld [tilespmem:s28+$0x840];
	_ =	sdelay $0x2  }
0xfb: {  	[tilespmem:s25+$0x1410] =	vst.add.f32.msk $0xffff, v3  }
0xfc: {  	s14 =	simm.s32 $0x800;
	v3 =	vld [tilespmem:s0+$0x1420]  }
0xfd: {  	s15 =	simm.s32 $0x100;
	s2 =	sand.u32 $0x2000, s14;
	[tilespmem:s26+$0x840] =	vst.add.f32.msk $0xffff, v4  }
0xfe: {  	s14 =	sand.u32 $0x380, s15;
	s5 =	sadd.s32 s2, s31;
	v4 =	vld [tilespmem:s28+$0x850]  }
0xff: {  	s29 =	sadd.s32 s14, s5  }
0x100: {  	v5 =	vld [tilespmem:s29+$0x0]  }
0x101: {  	[tilespmem:s25+$0x1420] =	vst.add.f32.msk $0xffff, v3  }
0x102: {  	v3 =	vld [tilespmem:s0+$0x1430]  }
0x103: {  	s2 =	sadd.s32 s2, s24;
	[tilespmem:s26+$0x850] =	vst.add.f32.msk $0xffff, v4  }
0x104: {  	s30 =	sadd.s32 s14, s2;
	v4 =	vld [tilespmem:s28+$0x860]  }
0x105: {  	[tilespmem:s30+$0x0] =	vst.add.f32.msk $0xffff, v5  }
0x106: {  	v5 =	vld [tilespmem:s29+$0x10]  }
0x107: {  	[tilespmem:s25+$0x1430] =	vst.add.f32.msk $0xffff, v3  }
0x108: {  	v3 =	vld [tilespmem:s0+$0x1440]  }
0x109: {  	[tilespmem:s26+$0x860] =	vst.add.f32.msk $0xffff, v4  }
0x10a: {  	v4 =	vld [tilespmem:s28+$0x870]  }
0x10b: {  	[tilespmem:s30+$0x10] =	vst.add.f32.msk $0xffff, v5  }
0x10c: {  	v5 =	vld [tilespmem:s29+$0x20]  }
0x10d: {  	[tilespmem:s25+$0x1440] =	vst.add.f32.msk $0xffff, v3  }
0x10e: {  	v3 =	vld [tilespmem:s0+$0x1450]  }
0x10f: {  	[tilespmem:s26+$0x870] =	vst.add.f32.msk $0xffff, v4  }
0x110: {  	v4 =	vld [tilespmem:s28+$0xC00]  }
0x111: {  	[tilespmem:s30+$0x20] =	vst.add.f32.msk $0xffff, v5  }
0x112: {  	v5 =	vld [tilespmem:s29+$0x30]  }
0x113: {  	[tilespmem:s25+$0x1450] =	vst.add.f32.msk $0xffff, v3  }
0x114: {  	v3 =	vld [tilespmem:s0+$0x1460]  }
0x115: {  	[tilespmem:s26+$0xC00] =	vst.add.f32.msk $0xffff, v4  }
0x116: {  	v4 =	vld [tilespmem:s28+$0xC10]  }
0x117: {  	[tilespmem:s30+$0x30] =	vst.add.f32.msk $0xffff, v5  }
0x118: {  	v5 =	vld [tilespmem:s29+$0x40]  }
0x119: {  	[tilespmem:s25+$0x1460] =	vst.add.f32.msk $0xffff, v3  }
0x11a: {  	v3 =	vld [tilespmem:s0+$0x1470]  }
0x11b: {  	[tilespmem:s26+$0xC10] =	vst.add.f32.msk $0xffff, v4  }
0x11c: {  	v4 =	vld [tilespmem:s28+$0xC20]  }
0x11d: {  	[tilespmem:s30+$0x40] =	vst.add.f32.msk $0xffff, v5  }
0x11e: {  	v5 =	vld [tilespmem:s29+$0x50]  }
0x11f: {  	[tilespmem:s25+$0x1470] =	vst.add.f32.msk $0xffff, v3  }
0x120: {  	v3 =	vld [tilespmem:s0+$0x1800]  }
0x121: {  	[tilespmem:s26+$0xC20] =	vst.add.f32.msk $0xffff, v4  }
0x122: {  	v4 =	vld [tilespmem:s28+$0xC30]  }
0x123: {  	[tilespmem:s30+$0x50] =	vst.add.f32.msk $0xffff, v5  }
0x124: {  	v5 =	vld [tilespmem:s29+$0x60]  }
0x125: {  	[tilespmem:s25+$0x1800] =	vst.add.f32.msk $0xffff, v3  }
0x126: {  	v3 =	vld [tilespmem:s0+$0x1810]  }
0x127: {  	[tilespmem:s26+$0xC30] =	vst.add.f32.msk $0xffff, v4  }
0x128: {  	v4 =	vld [tilespmem:s28+$0xC40]  }
0x129: {  	[tilespmem:s30+$0x60] =	vst.add.f32.msk $0xffff, v5  }
0x12a: {  	v5 =	vld [tilespmem:s29+$0x70]  }
0x12b: {  	[tilespmem:s25+$0x1810] =	vst.add.f32.msk $0xffff, v3  }
0x12c: {  	v3 =	vld [tilespmem:s0+$0x1820]  }
0x12d: {  	[tilespmem:s26+$0xC40] =	vst.add.f32.msk $0xffff, v4  }
0x12e: {  	v4 =	vld [tilespmem:s28+$0xC50]  }
0x12f: {  	[tilespmem:s30+$0x70] =	vst.add.f32.msk $0xffff, v5  }
0x130: {  	v5 =	vld [tilespmem:s29+$0x400]  }
0x131: {  	[tilespmem:s25+$0x1820] =	vst.add.f32.msk $0xffff, v3  }
0x132: {  	v3 =	vld [tilespmem:s0+$0x1830]  }
0x133: {  	[tilespmem:s26+$0xC50] =	vst.add.f32.msk $0xffff, v4  }
0x134: {  	v4 =	vld [tilespmem:s28+$0xC60]  }
0x135: {  	[tilespmem:s30+$0x400] =	vst.add.f32.msk $0xffff, v5  }
0x136: {  	v5 =	vld [tilespmem:s29+$0x410]  }
0x137: {  	[tilespmem:s25+$0x1830] =	vst.add.f32.msk $0xffff, v3  }
0x138: {  	v3 =	vld [tilespmem:s0+$0x1840]  }
0x139: {  	[tilespmem:s26+$0xC60] =	vst.add.f32.msk $0xffff, v4  }
0x13a: {  	v4 =	vld [tilespmem:s28+$0xC70]  }
0x13b: {  	[tilespmem:s30+$0x410] =	vst.add.f32.msk $0xffff, v5  }
0x13c: {  	v5 =	vld [tilespmem:s29+$0x420]  }
0x13d: {  	[tilespmem:s25+$0x1840] =	vst.add.f32.msk $0xffff, v3  }
0x13e: {  	v3 =	vld [tilespmem:s0+$0x1850]  }
0x13f: {  	[tilespmem:s26+$0xC70] =	vst.add.f32.msk $0xffff, v4  }
0x140: {  	v4 =	vld [tilespmem:s28+$0x1000]  }
0x141: {  	[tilespmem:s30+$0x420] =	vst.add.f32.msk $0xffff, v5  }
0x142: {  	v5 =	vld [tilespmem:s29+$0x430]  }
0x143: {  	[tilespmem:s25+$0x1850] =	vst.add.f32.msk $0xffff, v3  }
0x144: {  	v3 =	vld [tilespmem:s0+$0x1860]  }
0x145: {  	[tilespmem:s26+$0x1000] =	vst.add.f32.msk $0xffff, v4  }
0x146: {  	v4 =	vld [tilespmem:s28+$0x1010]  }
0x147: {  	[tilespmem:s30+$0x430] =	vst.add.f32.msk $0xffff, v5  }
0x148: {  	v5 =	vld [tilespmem:s29+$0x440]  }
0x149: {  	[tilespmem:s25+$0x1860] =	vst.add.f32.msk $0xffff, v3  }
0x14a: {  	v3 =	vld [tilespmem:s0+$0x1870]  }
0x14b: {  	[tilespmem:s26+$0x1010] =	vst.add.f32.msk $0xffff, v4  }
0x14c: {  	v4 =	vld [tilespmem:s28+$0x1020]  }
0x14d: {  	[tilespmem:s30+$0x440] =	vst.add.f32.msk $0xffff, v5  }
0x14e: {  	v5 =	vld [tilespmem:s29+$0x450]  }
0x14f: {  	[tilespmem:s25+$0x1870] =	vst.add.f32.msk $0xffff, v3  }
0x150: {  	v3 =	vld [tilespmem:s0+$0x1C00]  }
0x151: {  	[tilespmem:s26+$0x1020] =	vst.add.f32.msk $0xffff, v4  }
0x152: {  	v4 =	vld [tilespmem:s28+$0x1030]  }
0x153: {  	[tilespmem:s30+$0x450] =	vst.add.f32.msk $0xffff, v5  }
0x154: {  	v5 =	vld [tilespmem:s29+$0x460]  }
0x155: {  	[tilespmem:s25+$0x1C00] =	vst.add.f32.msk $0xffff, v3  }
0x156: {  	v3 =	vld [tilespmem:s0+$0x1C10]  }
0x157: {  	[tilespmem:s26+$0x1030] =	vst.add.f32.msk $0xffff, v4  }
0x158: {  	v4 =	vld [tilespmem:s28+$0x1040]  }
0x159: {  	[tilespmem:s30+$0x460] =	vst.add.f32.msk $0xffff, v5  }
0x15a: {  	v5 =	vld [tilespmem:s29+$0x470]  }
0x15b: {  	[tilespmem:s25+$0x1C10] =	vst.add.f32.msk $0xffff, v3  }
0x15c: {  	v3 =	vld [tilespmem:s0+$0x1C20]  }
0x15d: {  	[tilespmem:s26+$0x1040] =	vst.add.f32.msk $0xffff, v4  }
0x15e: {  	v4 =	vld [tilespmem:s28+$0x1050]  }
0x15f: {  	[tilespmem:s30+$0x470] =	vst.add.f32.msk $0xffff, v5  }
0x160: {  	v5 =	vld [tilespmem:s29+$0x800]  }
0x161: {  	[tilespmem:s25+$0x1C20] =	vst.add.f32.msk $0xffff, v3  }
0x162: {  	v3 =	vld [tilespmem:s0+$0x1C30]  }
0x163: {  	[tilespmem:s26+$0x1050] =	vst.add.f32.msk $0xffff, v4  }
0x164: {  	v4 =	vld [tilespmem:s28+$0x1060]  }
0x165: {  	[tilespmem:s30+$0x800] =	vst.add.f32.msk $0xffff, v5  }
0x166: {  	v5 =	vld [tilespmem:s29+$0x810]  }
0x167: {  	[tilespmem:s25+$0x1C30] =	vst.add.f32.msk $0xffff, v3  }
0x168: {  	v3 =	vld [tilespmem:s0+$0x1C40]  }
0x169: {  	[tilespmem:s26+$0x1060] =	vst.add.f32.msk $0xffff, v4  }
0x16a: {  	v4 =	vld [tilespmem:s28+$0x1070]  }
0x16b: {  	[tilespmem:s30+$0x810] =	vst.add.f32.msk $0xffff, v5  }
0x16c: {  	v5 =	vld [tilespmem:s29+$0x820]  }
0x16d: {  	[tilespmem:s25+$0x1C40] =	vst.add.f32.msk $0xffff, v3  }
0x16e: {  	v3 =	vld [tilespmem:s0+$0x1C50]  }
0x16f: {  	[tilespmem:s26+$0x1070] =	vst.add.f32.msk $0xffff, v4  }
0x170: {  	v4 =	vld [tilespmem:s28+$0x1400]  }
0x171: {  	[tilespmem:s30+$0x820] =	vst.add.f32.msk $0xffff, v5  }
0x172: {  	v5 =	vld [tilespmem:s29+$0x830]  }
0x173: {  	[tilespmem:s25+$0x1C50] =	vst.add.f32.msk $0xffff, v3  }
0x174: {  	v3 =	vld [tilespmem:s0+$0x1C60]  }
0x175: {  	[tilespmem:s26+$0x1400] =	vst.add.f32.msk $0xffff, v4  }
0x176: {  	v4 =	vld [tilespmem:s28+$0x1410]  }
0x177: {  	[tilespmem:s30+$0x830] =	vst.add.f32.msk $0xffff, v5  }
0x178: {  	v5 =	vld [tilespmem:s29+$0x840]  }
0x179: {  	[tilespmem:s25+$0x1C60] =	vst.add.f32.msk $0xffff, v3  }
0x17a: {  	v3 =	vld [tilespmem:s0+$0x1C70]  }
0x17b: {  	[tilespmem:s26+$0x1410] =	vst.add.f32.msk $0xffff, v4  }
0x17c: {  	s15 =	simm.s32 $0xC00;
	v4 =	vld [tilespmem:s28+$0x1420]  }
0x17d: {  	s15 =	sand.u32 $0x2000, s15;
	s2 =	simm.s32 $0x180;
	[tilespmem:s30+$0x840] =	vst.add.f32.msk $0xffff, v5;
	s0 =	simm.s32 $0x1000  }
.LBB2_3:
0x17e: {  	p0 =	sne.s32 s0, $0x3C00;
	s5 =	sand.u32 $0x380, s2;
	s14 =	sadd.s32 s15, s31;
	v5 =	vld [tilespmem:s29+$0x850]  }
0x17f: {  	s14 =	sadd.s32 s5, s14;
	[tilespmem:s25+$0x1C70] =	vst.add.f32.msk $0xffff, v3;
	s25 =	smov.u32 s26;
	s26 =	smov.u32 s30  }
0x180: {  	v3 =	vld [tilespmem:s14+$0x0]  }
0x181: {  	[tilespmem:s25+$0x1420] =	vst.add.f32.msk $0xffff, v4  }
0x182: {  	v4 =	vld [tilespmem:s28+$0x1430]  }
0x183: {  	s15 =	sadd.s32 s15, s24;
	[tilespmem:s26+$0x850] =	vst.add.f32.msk $0xffff, v5  }
0x184: {  	s30 =	sadd.s32 s5, s15;
	v5 =	vld [tilespmem:s29+$0x860]  }
0x185: {  	[tilespmem:s30+$0x0] =	vst.add.f32.msk $0xffff, v3  }
0x186: {  	v3 =	vld [tilespmem:s14+$0x10]  }
0x187: {  	[tilespmem:s25+$0x1430] =	vst.add.f32.msk $0xffff, v4  }
0x188: {  	v4 =	vld [tilespmem:s28+$0x1440]  }
0x189: {  	[tilespmem:s26+$0x860] =	vst.add.f32.msk $0xffff, v5  }
0x18a: {  	v5 =	vld [tilespmem:s29+$0x870]  }
0x18b: {  	[tilespmem:s30+$0x10] =	vst.add.f32.msk $0xffff, v3  }
0x18c: {  	v3 =	vld [tilespmem:s14+$0x20]  }
0x18d: {  	[tilespmem:s25+$0x1440] =	vst.add.f32.msk $0xffff, v4  }
0x18e: {  	v4 =	vld [tilespmem:s28+$0x1450]  }
0x18f: {  	[tilespmem:s26+$0x870] =	vst.add.f32.msk $0xffff, v5  }
0x190: {  	v5 =	vld [tilespmem:s29+$0xC00]  }
0x191: {  	[tilespmem:s30+$0x20] =	vst.add.f32.msk $0xffff, v3  }
0x192: {  	v3 =	vld [tilespmem:s14+$0x30]  }
0x193: {  	[tilespmem:s25+$0x1450] =	vst.add.f32.msk $0xffff, v4  }
0x194: {  	v4 =	vld [tilespmem:s28+$0x1460]  }
0x195: {  	[tilespmem:s26+$0xC00] =	vst.add.f32.msk $0xffff, v5  }
0x196: {  	v5 =	vld [tilespmem:s29+$0xC10]  }
0x197: {  	[tilespmem:s30+$0x30] =	vst.add.f32.msk $0xffff, v3  }
0x198: {  	v3 =	vld [tilespmem:s14+$0x40]  }
0x199: {  	[tilespmem:s25+$0x1460] =	vst.add.f32.msk $0xffff, v4  }
0x19a: {  	v4 =	vld [tilespmem:s28+$0x1470]  }
0x19b: {  	[tilespmem:s26+$0xC10] =	vst.add.f32.msk $0xffff, v5  }
0x19c: {  	v5 =	vld [tilespmem:s29+$0xC20]  }
0x19d: {  	[tilespmem:s30+$0x40] =	vst.add.f32.msk $0xffff, v3  }
0x19e: {  	v3 =	vld [tilespmem:s14+$0x50]  }
0x19f: {  	[tilespmem:s25+$0x1470] =	vst.add.f32.msk $0xffff, v4  }
0x1a0: {  	v4 =	vld [tilespmem:s28+$0x1800]  }
0x1a1: {  	[tilespmem:s26+$0xC20] =	vst.add.f32.msk $0xffff, v5  }
0x1a2: {  	v5 =	vld [tilespmem:s29+$0xC30]  }
0x1a3: {  	[tilespmem:s30+$0x50] =	vst.add.f32.msk $0xffff, v3  }
0x1a4: {  	v3 =	vld [tilespmem:s14+$0x60]  }
0x1a5: {  	[tilespmem:s25+$0x1800] =	vst.add.f32.msk $0xffff, v4  }
0x1a6: {  	v4 =	vld [tilespmem:s28+$0x1810]  }
0x1a7: {  	[tilespmem:s26+$0xC30] =	vst.add.f32.msk $0xffff, v5  }
0x1a8: {  	v5 =	vld [tilespmem:s29+$0xC40]  }
0x1a9: {  	[tilespmem:s30+$0x60] =	vst.add.f32.msk $0xffff, v3  }
0x1aa: {  	v3 =	vld [tilespmem:s14+$0x70]  }
0x1ab: {  	[tilespmem:s25+$0x1810] =	vst.add.f32.msk $0xffff, v4  }
0x1ac: {  	v4 =	vld [tilespmem:s28+$0x1820]  }
0x1ad: {  	[tilespmem:s26+$0xC40] =	vst.add.f32.msk $0xffff, v5  }
0x1ae: {  	v5 =	vld [tilespmem:s29+$0xC50]  }
0x1af: {  	[tilespmem:s30+$0x70] =	vst.add.f32.msk $0xffff, v3  }
0x1b0: {  	v3 =	vld [tilespmem:s14+$0x400]  }
0x1b1: {  	[tilespmem:s25+$0x1820] =	vst.add.f32.msk $0xffff, v4  }
0x1b2: {  	v4 =	vld [tilespmem:s28+$0x1830]  }
0x1b3: {  	[tilespmem:s26+$0xC50] =	vst.add.f32.msk $0xffff, v5  }
0x1b4: {  	v5 =	vld [tilespmem:s29+$0xC60]  }
0x1b5: {  	[tilespmem:s30+$0x400] =	vst.add.f32.msk $0xffff, v3  }
0x1b6: {  	v3 =	vld [tilespmem:s14+$0x410]  }
0x1b7: {  	[tilespmem:s25+$0x1830] =	vst.add.f32.msk $0xffff, v4  }
0x1b8: {  	v4 =	vld [tilespmem:s28+$0x1840]  }
0x1b9: {  	[tilespmem:s26+$0xC60] =	vst.add.f32.msk $0xffff, v5  }
0x1ba: {  	v5 =	vld [tilespmem:s29+$0xC70]  }
0x1bb: {  	[tilespmem:s30+$0x410] =	vst.add.f32.msk $0xffff, v3  }
0x1bc: {  	v3 =	vld [tilespmem:s14+$0x420]  }
0x1bd: {  	[tilespmem:s25+$0x1840] =	vst.add.f32.msk $0xffff, v4  }
0x1be: {  	v4 =	vld [tilespmem:s28+$0x1850]  }
0x1bf: {  	[tilespmem:s26+$0xC70] =	vst.add.f32.msk $0xffff, v5  }
0x1c0: {  	v5 =	vld [tilespmem:s29+$0x1000]  }
0x1c1: {  	[tilespmem:s30+$0x420] =	vst.add.f32.msk $0xffff, v3  }
0x1c2: {  	v3 =	vld [tilespmem:s14+$0x430]  }
0x1c3: {  	[tilespmem:s25+$0x1850] =	vst.add.f32.msk $0xffff, v4  }
0x1c4: {  	v4 =	vld [tilespmem:s28+$0x1860]  }
0x1c5: {  	[tilespmem:s26+$0x1000] =	vst.add.f32.msk $0xffff, v5  }
0x1c6: {  	v5 =	vld [tilespmem:s29+$0x1010]  }
0x1c7: {  	[tilespmem:s30+$0x430] =	vst.add.f32.msk $0xffff, v3  }
0x1c8: {  	v3 =	vld [tilespmem:s14+$0x440]  }
0x1c9: {  	[tilespmem:s25+$0x1860] =	vst.add.f32.msk $0xffff, v4  }
0x1ca: {  	v4 =	vld [tilespmem:s28+$0x1870]  }
0x1cb: {  	[tilespmem:s26+$0x1010] =	vst.add.f32.msk $0xffff, v5  }
0x1cc: {  	v5 =	vld [tilespmem:s29+$0x1020]  }
0x1cd: {  	[tilespmem:s30+$0x440] =	vst.add.f32.msk $0xffff, v3  }
0x1ce: {  	v3 =	vld [tilespmem:s14+$0x450]  }
0x1cf: {  	[tilespmem:s25+$0x1870] =	vst.add.f32.msk $0xffff, v4  }
0x1d0: {  	v4 =	vld [tilespmem:s28+$0x1C00]  }
0x1d1: {  	[tilespmem:s26+$0x1020] =	vst.add.f32.msk $0xffff, v5  }
0x1d2: {  	v5 =	vld [tilespmem:s29+$0x1030]  }
0x1d3: {  	[tilespmem:s30+$0x450] =	vst.add.f32.msk $0xffff, v3  }
0x1d4: {  	v3 =	vld [tilespmem:s14+$0x460]  }
0x1d5: {  	[tilespmem:s25+$0x1C00] =	vst.add.f32.msk $0xffff, v4  }
0x1d6: {  	v4 =	vld [tilespmem:s28+$0x1C10]  }
0x1d7: {  	[tilespmem:s26+$0x1030] =	vst.add.f32.msk $0xffff, v5  }
0x1d8: {  	v5 =	vld [tilespmem:s29+$0x1040]  }
0x1d9: {  	[tilespmem:s30+$0x460] =	vst.add.f32.msk $0xffff, v3  }
0x1da: {  	v3 =	vld [tilespmem:s14+$0x470]  }
0x1db: {  	[tilespmem:s25+$0x1C10] =	vst.add.f32.msk $0xffff, v4  }
0x1dc: {  	v4 =	vld [tilespmem:s28+$0x1C20]  }
0x1dd: {  	[tilespmem:s26+$0x1040] =	vst.add.f32.msk $0xffff, v5  }
0x1de: {  	v5 =	vld [tilespmem:s29+$0x1050]  }
0x1df: {  	[tilespmem:s30+$0x470] =	vst.add.f32.msk $0xffff, v3  }
0x1e0: {  	v3 =	vld [tilespmem:s14+$0x800]  }
0x1e1: {  	[tilespmem:s25+$0x1C20] =	vst.add.f32.msk $0xffff, v4  }
0x1e2: {  	v4 =	vld [tilespmem:s28+$0x1C30]  }
0x1e3: {  	[tilespmem:s26+$0x1050] =	vst.add.f32.msk $0xffff, v5  }
0x1e4: {  	v5 =	vld [tilespmem:s29+$0x1060]  }
0x1e5: {  	[tilespmem:s30+$0x800] =	vst.add.f32.msk $0xffff, v3  }
0x1e6: {  	v3 =	vld [tilespmem:s14+$0x810]  }
0x1e7: {  	[tilespmem:s25+$0x1C30] =	vst.add.f32.msk $0xffff, v4  }
0x1e8: {  	v4 =	vld [tilespmem:s28+$0x1C40]  }
0x1e9: {  	[tilespmem:s26+$0x1060] =	vst.add.f32.msk $0xffff, v5  }
0x1ea: {  	v5 =	vld [tilespmem:s29+$0x1070]  }
0x1eb: {  	[tilespmem:s30+$0x810] =	vst.add.f32.msk $0xffff, v3  }
0x1ec: {  	v3 =	vld [tilespmem:s14+$0x820]  }
0x1ed: {  	[tilespmem:s25+$0x1C40] =	vst.add.f32.msk $0xffff, v4  }
0x1ee: {  	v4 =	vld [tilespmem:s28+$0x1C50]  }
0x1ef: {  	[tilespmem:s26+$0x1070] =	vst.add.f32.msk $0xffff, v5  }
0x1f0: {  	v5 =	vld [tilespmem:s29+$0x1400]  }
0x1f1: {  	[tilespmem:s30+$0x820] =	vst.add.f32.msk $0xffff, v3  }
0x1f2: {  	v3 =	vld [tilespmem:s14+$0x830]  }
0x1f3: {  	[tilespmem:s25+$0x1C50] =	vst.add.f32.msk $0xffff, v4  }
0x1f4: {  	v4 =	vld [tilespmem:s28+$0x1C60]  }
0x1f5: {  	[tilespmem:s26+$0x1400] =	vst.add.f32.msk $0xffff, v5  }
0x1f6: {  	v5 =	vld [tilespmem:s29+$0x1410]  }
0x1f7: {  	[tilespmem:s30+$0x830] =	vst.add.f32.msk $0xffff, v3  }
0x1f8: {  	v6 =	vld [tilespmem:s14+$0x840]  }
.Ltmp0:
0x1f9: {  	[tilespmem:s25+$0x1C60] =	vst.add.f32.msk $0xffff, v4;
	(pc) =	sbr.rel @p0 .LBB2_3-.Ltmp0, $4  }
0x1fa: {  	v3 =	vld [tilespmem:s28+$0x1C70];
	s28 =	smov.u32 s29;
	s29 =	smov.u32 s14  }
0x1fb: {  	[tilespmem:s26+$0x1410] =	vst.add.f32.msk $0xffff, v5  }
0x1fc: {  	v4 =	vld [tilespmem:s28+$0x1420]  }
0x1fd: {  	s2 =	sadd.s32 $0x80, s2;
	s15 =	sand.u32 $0x2000, s0;
	s0 =	sadd.s32 $0x400, s0;
	[tilespmem:s30+$0x840] =	vst.add.f32.msk $0xffff, v6  }
0x1fe: {  	s0 =	sand.u32 $0x380, s2;
	s14 =	sadd.s32 s15, s31  }
0x1ff: {  	s2 =	sadd.s32 s0, s14  }
0x200: {  	v5 =	vld [tilespmem:s2+$0x0];
	_ =	sdelay $0x2  }
0x201: {  	s5 =	sadd.s32 s15, s24  }
0x202: {  	s0 =	sadd.s32 s0, s5  }
0x203: {  	[tilespmem:s0+$0x0] =	vst.add.f32.msk $0xffff, v5  }
0x204: {  	v5 =	vld [tilespmem:s2+$0x10];
	_ =	sdelay $0x4  }
0x205: {  	[tilespmem:s0+$0x10] =	vst.add.f32.msk $0xffff, v5  }
0x206: {  	v5 =	vld [tilespmem:s2+$0x20];
	_ =	sdelay $0x4  }
0x207: {  	[tilespmem:s0+$0x20] =	vst.add.f32.msk $0xffff, v5  }
0x208: {  	v5 =	vld [tilespmem:s2+$0x30];
	_ =	sdelay $0x4  }
0x209: {  	[tilespmem:s0+$0x30] =	vst.add.f32.msk $0xffff, v5  }
0x20a: {  	v5 =	vld [tilespmem:s2+$0x40];
	_ =	sdelay $0x4  }
0x20b: {  	[tilespmem:s0+$0x40] =	vst.add.f32.msk $0xffff, v5  }
0x20c: {  	v5 =	vld [tilespmem:s2+$0x50];
	_ =	sdelay $0x4  }
0x20d: {  	[tilespmem:s0+$0x50] =	vst.add.f32.msk $0xffff, v5  }
0x20e: {  	v5 =	vld [tilespmem:s2+$0x60];
	_ =	sdelay $0x4  }
0x20f: {  	[tilespmem:s0+$0x60] =	vst.add.f32.msk $0xffff, v5  }
0x210: {  	v5 =	vld [tilespmem:s2+$0x70];
	_ =	sdelay $0x4  }
0x211: {  	[tilespmem:s0+$0x70] =	vst.add.f32.msk $0xffff, v5  }
0x212: {  	v5 =	vld [tilespmem:s2+$0x400];
	_ =	sdelay $0x4  }
0x213: {  	[tilespmem:s0+$0x400] =	vst.add.f32.msk $0xffff, v5  }
0x214: {  	v5 =	vld [tilespmem:s2+$0x410];
	_ =	sdelay $0x4  }
0x215: {  	[tilespmem:s0+$0x410] =	vst.add.f32.msk $0xffff, v5  }
0x216: {  	v5 =	vld [tilespmem:s2+$0x420];
	_ =	sdelay $0x4  }
0x217: {  	[tilespmem:s0+$0x420] =	vst.add.f32.msk $0xffff, v5  }
0x218: {  	v5 =	vld [tilespmem:s2+$0x430];
	_ =	sdelay $0x4  }
0x219: {  	[tilespmem:s0+$0x430] =	vst.add.f32.msk $0xffff, v5  }
0x21a: {  	v5 =	vld [tilespmem:s2+$0x440];
	_ =	sdelay $0x4  }
0x21b: {  	[tilespmem:s0+$0x440] =	vst.add.f32.msk $0xffff, v5  }
0x21c: {  	v5 =	vld [tilespmem:s2+$0x450];
	_ =	sdelay $0x4  }
0x21d: {  	[tilespmem:s0+$0x450] =	vst.add.f32.msk $0xffff, v5  }
0x21e: {  	v5 =	vld [tilespmem:s2+$0x460];
	_ =	sdelay $0x4  }
0x21f: {  	[tilespmem:s0+$0x460] =	vst.add.f32.msk $0xffff, v5  }
0x220: {  	v5 =	vld [tilespmem:s2+$0x470];
	_ =	sdelay $0x4  }
0x221: {  	[tilespmem:s0+$0x470] =	vst.add.f32.msk $0xffff, v5  }
0x222: {  	v5 =	vld [tilespmem:s2+$0x800];
	_ =	sdelay $0x4  }
0x223: {  	[tilespmem:s0+$0x800] =	vst.add.f32.msk $0xffff, v5  }
0x224: {  	v5 =	vld [tilespmem:s2+$0x810];
	_ =	sdelay $0x4  }
0x225: {  	[tilespmem:s0+$0x810] =	vst.add.f32.msk $0xffff, v5  }
0x226: {  	v5 =	vld [tilespmem:s2+$0x820];
	_ =	sdelay $0x4  }
0x227: {  	[tilespmem:s0+$0x820] =	vst.add.f32.msk $0xffff, v5  }
0x228: {  	v5 =	vld [tilespmem:s2+$0x830];
	_ =	sdelay $0x4  }
0x229: {  	[tilespmem:s0+$0x830] =	vst.add.f32.msk $0xffff, v5  }
0x22a: {  	v5 =	vld [tilespmem:s2+$0x840];
	_ =	sdelay $0x3  }
0x22b: {  	v6 =	vld [tilespmem:s29+$0x850]  }
0x22c: {  	[tilespmem:s0+$0x840] =	vst.add.f32.msk $0xffff, v5  }
0x22d: {  	v5 =	vld [tilespmem:s2+$0x850];
	_ =	sdelay $0x2  }
0x22e: {  	[tilespmem:s30+$0x850] =	vst.add.f32.msk $0xffff, v6  }
0x22f: {  	v6 =	vld [tilespmem:s29+$0x860]  }
0x230: {  	[tilespmem:s0+$0x850] =	vst.add.f32.msk $0xffff, v5  }
0x231: {  	v5 =	vld [tilespmem:s2+$0x860];
	_ =	sdelay $0x2  }
0x232: {  	[tilespmem:s30+$0x860] =	vst.add.f32.msk $0xffff, v6  }
0x233: {  	v6 =	vld [tilespmem:s29+$0x870]  }
0x234: {  	[tilespmem:s0+$0x860] =	vst.add.f32.msk $0xffff, v5  }
0x235: {  	v5 =	vld [tilespmem:s2+$0x870];
	_ =	sdelay $0x2  }
0x236: {  	[tilespmem:s30+$0x870] =	vst.add.f32.msk $0xffff, v6  }
0x237: {  	v6 =	vld [tilespmem:s29+$0xC00]  }
0x238: {  	[tilespmem:s0+$0x870] =	vst.add.f32.msk $0xffff, v5  }
0x239: {  	v5 =	vld [tilespmem:s2+$0xC00];
	_ =	sdelay $0x2  }
0x23a: {  	[tilespmem:s30+$0xC00] =	vst.add.f32.msk $0xffff, v6  }
0x23b: {  	v6 =	vld [tilespmem:s29+$0xC10]  }
0x23c: {  	[tilespmem:s0+$0xC00] =	vst.add.f32.msk $0xffff, v5  }
0x23d: {  	v5 =	vld [tilespmem:s2+$0xC10];
	_ =	sdelay $0x2  }
0x23e: {  	[tilespmem:s30+$0xC10] =	vst.add.f32.msk $0xffff, v6  }
0x23f: {  	v6 =	vld [tilespmem:s29+$0xC20]  }
0x240: {  	[tilespmem:s0+$0xC10] =	vst.add.f32.msk $0xffff, v5  }
0x241: {  	v5 =	vld [tilespmem:s2+$0xC20];
	_ =	sdelay $0x2  }
0x242: {  	[tilespmem:s30+$0xC20] =	vst.add.f32.msk $0xffff, v6  }
0x243: {  	v6 =	vld [tilespmem:s29+$0xC30]  }
0x244: {  	[tilespmem:s0+$0xC20] =	vst.add.f32.msk $0xffff, v5  }
0x245: {  	v5 =	vld [tilespmem:s2+$0xC30];
	_ =	sdelay $0x2  }
0x246: {  	[tilespmem:s30+$0xC30] =	vst.add.f32.msk $0xffff, v6  }
0x247: {  	v6 =	vld [tilespmem:s29+$0xC40]  }
0x248: {  	[tilespmem:s0+$0xC30] =	vst.add.f32.msk $0xffff, v5  }
0x249: {  	v5 =	vld [tilespmem:s2+$0xC40];
	_ =	sdelay $0x2  }
0x24a: {  	[tilespmem:s30+$0xC40] =	vst.add.f32.msk $0xffff, v6  }
0x24b: {  	v6 =	vld [tilespmem:s29+$0xC50]  }
0x24c: {  	[tilespmem:s0+$0xC40] =	vst.add.f32.msk $0xffff, v5  }
0x24d: {  	v5 =	vld [tilespmem:s2+$0xC50];
	_ =	sdelay $0x2  }
0x24e: {  	[tilespmem:s30+$0xC50] =	vst.add.f32.msk $0xffff, v6  }
0x24f: {  	v6 =	vld [tilespmem:s29+$0xC60]  }
0x250: {  	[tilespmem:s0+$0xC50] =	vst.add.f32.msk $0xffff, v5  }
0x251: {  	v5 =	vld [tilespmem:s2+$0xC60];
	_ =	sdelay $0x2  }
0x252: {  	[tilespmem:s30+$0xC60] =	vst.add.f32.msk $0xffff, v6  }
0x253: {  	v6 =	vld [tilespmem:s29+$0xC70]  }
0x254: {  	[tilespmem:s0+$0xC60] =	vst.add.f32.msk $0xffff, v5  }
0x255: {  	v5 =	vld [tilespmem:s2+$0xC70];
	_ =	sdelay $0x2  }
0x256: {  	[tilespmem:s30+$0xC70] =	vst.add.f32.msk $0xffff, v6  }
0x257: {  	v6 =	vld [tilespmem:s29+$0x1000]  }
0x258: {  	[tilespmem:s0+$0xC70] =	vst.add.f32.msk $0xffff, v5  }
0x259: {  	v5 =	vld [tilespmem:s2+$0x1000];
	_ =	sdelay $0x2  }
0x25a: {  	[tilespmem:s30+$0x1000] =	vst.add.f32.msk $0xffff, v6  }
0x25b: {  	v6 =	vld [tilespmem:s29+$0x1010]  }
0x25c: {  	[tilespmem:s0+$0x1000] =	vst.add.f32.msk $0xffff, v5  }
0x25d: {  	v5 =	vld [tilespmem:s2+$0x1010];
	_ =	sdelay $0x2  }
0x25e: {  	[tilespmem:s30+$0x1010] =	vst.add.f32.msk $0xffff, v6  }
0x25f: {  	v6 =	vld [tilespmem:s29+$0x1020]  }
0x260: {  	[tilespmem:s0+$0x1010] =	vst.add.f32.msk $0xffff, v5  }
0x261: {  	v5 =	vld [tilespmem:s2+$0x1020];
	_ =	sdelay $0x2  }
0x262: {  	[tilespmem:s30+$0x1020] =	vst.add.f32.msk $0xffff, v6  }
0x263: {  	v6 =	vld [tilespmem:s29+$0x1030]  }
0x264: {  	[tilespmem:s0+$0x1020] =	vst.add.f32.msk $0xffff, v5  }
0x265: {  	v5 =	vld [tilespmem:s2+$0x1030];
	_ =	sdelay $0x2  }
0x266: {  	[tilespmem:s30+$0x1030] =	vst.add.f32.msk $0xffff, v6  }
0x267: {  	v6 =	vld [tilespmem:s29+$0x1040]  }
0x268: {  	[tilespmem:s0+$0x1030] =	vst.add.f32.msk $0xffff, v5  }
0x269: {  	v5 =	vld [tilespmem:s2+$0x1040];
	_ =	sdelay $0x2  }
0x26a: {  	[tilespmem:s30+$0x1040] =	vst.add.f32.msk $0xffff, v6  }
0x26b: {  	v6 =	vld [tilespmem:s29+$0x1050]  }
0x26c: {  	[tilespmem:s0+$0x1040] =	vst.add.f32.msk $0xffff, v5  }
0x26d: {  	v5 =	vld [tilespmem:s2+$0x1050];
	_ =	sdelay $0x2  }
0x26e: {  	[tilespmem:s30+$0x1050] =	vst.add.f32.msk $0xffff, v6  }
0x26f: {  	v6 =	vld [tilespmem:s29+$0x1060]  }
0x270: {  	[tilespmem:s0+$0x1050] =	vst.add.f32.msk $0xffff, v5  }
0x271: {  	v5 =	vld [tilespmem:s2+$0x1060];
	_ =	sdelay $0x2  }
0x272: {  	[tilespmem:s30+$0x1060] =	vst.add.f32.msk $0xffff, v6  }
0x273: {  	v6 =	vld [tilespmem:s29+$0x1070]  }
0x274: {  	[tilespmem:s0+$0x1060] =	vst.add.f32.msk $0xffff, v5  }
0x275: {  	v5 =	vld [tilespmem:s2+$0x1070];
	_ =	sdelay $0x2  }
0x276: {  	[tilespmem:s30+$0x1070] =	vst.add.f32.msk $0xffff, v6  }
0x277: {  	v6 =	vld [tilespmem:s29+$0x1400]  }
0x278: {  	[tilespmem:s0+$0x1070] =	vst.add.f32.msk $0xffff, v5  }
0x279: {  	v5 =	vld [tilespmem:s2+$0x1400];
	_ =	sdelay $0x2  }
0x27a: {  	[tilespmem:s30+$0x1400] =	vst.add.f32.msk $0xffff, v6  }
0x27b: {  	v6 =	vld [tilespmem:s29+$0x1410]  }
0x27c: {  	[tilespmem:s0+$0x1400] =	vst.add.f32.msk $0xffff, v5  }
0x27d: {  	v5 =	vld [tilespmem:s2+$0x1410];
	_ =	sdelay $0x2  }
0x27e: {  	[tilespmem:s30+$0x1410] =	vst.add.f32.msk $0xffff, v6  }
0x27f: {  	v6 =	vld [tilespmem:s29+$0x1420]  }
0x280: {  	[tilespmem:s0+$0x1410] =	vst.add.f32.msk $0xffff, v5  }
0x281: {  	v5 =	vld [tilespmem:s2+$0x1420]  }
0x282: {  	[tilespmem:s26+$0x1420] =	vst.add.f32.msk $0xffff, v4  }
0x283: {  	v4 =	vld [tilespmem:s28+$0x1430]  }
0x284: {  	[tilespmem:s30+$0x1420] =	vst.add.f32.msk $0xffff, v6  }
0x285: {  	v6 =	vld [tilespmem:s29+$0x1430]  }
0x286: {  	[tilespmem:s0+$0x1420] =	vst.add.f32.msk $0xffff, v5  }
0x287: {  	v5 =	vld [tilespmem:s2+$0x1430]  }
0x288: {  	[tilespmem:s26+$0x1430] =	vst.add.f32.msk $0xffff, v4  }
0x289: {  	v4 =	vld [tilespmem:s28+$0x1440]  }
0x28a: {  	[tilespmem:s30+$0x1430] =	vst.add.f32.msk $0xffff, v6  }
0x28b: {  	v6 =	vld [tilespmem:s29+$0x1440]  }
0x28c: {  	[tilespmem:s0+$0x1430] =	vst.add.f32.msk $0xffff, v5  }
0x28d: {  	v5 =	vld [tilespmem:s2+$0x1440]  }
0x28e: {  	[tilespmem:s26+$0x1440] =	vst.add.f32.msk $0xffff, v4  }
0x28f: {  	v4 =	vld [tilespmem:s28+$0x1450]  }
0x290: {  	[tilespmem:s30+$0x1440] =	vst.add.f32.msk $0xffff, v6  }
0x291: {  	v6 =	vld [tilespmem:s29+$0x1450]  }
0x292: {  	[tilespmem:s0+$0x1440] =	vst.add.f32.msk $0xffff, v5  }
0x293: {  	v5 =	vld [tilespmem:s2+$0x1450]  }
0x294: {  	[tilespmem:s26+$0x1450] =	vst.add.f32.msk $0xffff, v4  }
0x295: {  	v4 =	vld [tilespmem:s28+$0x1460]  }
0x296: {  	[tilespmem:s30+$0x1450] =	vst.add.f32.msk $0xffff, v6  }
0x297: {  	v6 =	vld [tilespmem:s29+$0x1460]  }
0x298: {  	[tilespmem:s0+$0x1450] =	vst.add.f32.msk $0xffff, v5  }
0x299: {  	v5 =	vld [tilespmem:s2+$0x1460]  }
0x29a: {  	[tilespmem:s26+$0x1460] =	vst.add.f32.msk $0xffff, v4  }
0x29b: {  	v4 =	vld [tilespmem:s28+$0x1470]  }
0x29c: {  	[tilespmem:s30+$0x1460] =	vst.add.f32.msk $0xffff, v6  }
0x29d: {  	v6 =	vld [tilespmem:s29+$0x1470]  }
0x29e: {  	[tilespmem:s0+$0x1460] =	vst.add.f32.msk $0xffff, v5  }
0x29f: {  	v5 =	vld [tilespmem:s2+$0x1470]  }
0x2a0: {  	[tilespmem:s26+$0x1470] =	vst.add.f32.msk $0xffff, v4  }
0x2a1: {  	v4 =	vld [tilespmem:s28+$0x1800]  }
0x2a2: {  	[tilespmem:s30+$0x1470] =	vst.add.f32.msk $0xffff, v6  }
0x2a3: {  	v6 =	vld [tilespmem:s29+$0x1800]  }
0x2a4: {  	[tilespmem:s0+$0x1470] =	vst.add.f32.msk $0xffff, v5  }
0x2a5: {  	v5 =	vld [tilespmem:s2+$0x1800]  }
0x2a6: {  	[tilespmem:s26+$0x1800] =	vst.add.f32.msk $0xffff, v4  }
0x2a7: {  	v4 =	vld [tilespmem:s28+$0x1810]  }
0x2a8: {  	[tilespmem:s30+$0x1800] =	vst.add.f32.msk $0xffff, v6  }
0x2a9: {  	v6 =	vld [tilespmem:s29+$0x1810]  }
0x2aa: {  	[tilespmem:s0+$0x1800] =	vst.add.f32.msk $0xffff, v5  }
0x2ab: {  	v5 =	vld [tilespmem:s2+$0x1810]  }
0x2ac: {  	[tilespmem:s26+$0x1810] =	vst.add.f32.msk $0xffff, v4  }
0x2ad: {  	v4 =	vld [tilespmem:s28+$0x1820]  }
0x2ae: {  	[tilespmem:s30+$0x1810] =	vst.add.f32.msk $0xffff, v6  }
0x2af: {  	v6 =	vld [tilespmem:s29+$0x1820]  }
0x2b0: {  	[tilespmem:s0+$0x1810] =	vst.add.f32.msk $0xffff, v5  }
0x2b1: {  	v5 =	vld [tilespmem:s2+$0x1820]  }
0x2b2: {  	[tilespmem:s26+$0x1820] =	vst.add.f32.msk $0xffff, v4  }
0x2b3: {  	v4 =	vld [tilespmem:s28+$0x1830]  }
0x2b4: {  	[tilespmem:s30+$0x1820] =	vst.add.f32.msk $0xffff, v6  }
0x2b5: {  	v6 =	vld [tilespmem:s29+$0x1830]  }
0x2b6: {  	[tilespmem:s0+$0x1820] =	vst.add.f32.msk $0xffff, v5  }
0x2b7: {  	v5 =	vld [tilespmem:s2+$0x1830]  }
0x2b8: {  	[tilespmem:s26+$0x1830] =	vst.add.f32.msk $0xffff, v4  }
0x2b9: {  	v4 =	vld [tilespmem:s28+$0x1840]  }
0x2ba: {  	[tilespmem:s30+$0x1830] =	vst.add.f32.msk $0xffff, v6  }
0x2bb: {  	v6 =	vld [tilespmem:s29+$0x1840]  }
0x2bc: {  	[tilespmem:s0+$0x1830] =	vst.add.f32.msk $0xffff, v5  }
0x2bd: {  	v5 =	vld [tilespmem:s2+$0x1840]  }
0x2be: {  	[tilespmem:s26+$0x1840] =	vst.add.f32.msk $0xffff, v4  }
0x2bf: {  	v4 =	vld [tilespmem:s28+$0x1850]  }
0x2c0: {  	[tilespmem:s30+$0x1840] =	vst.add.f32.msk $0xffff, v6  }
0x2c1: {  	v6 =	vld [tilespmem:s29+$0x1850]  }
0x2c2: {  	[tilespmem:s0+$0x1840] =	vst.add.f32.msk $0xffff, v5  }
0x2c3: {  	v5 =	vld [tilespmem:s2+$0x1850]  }
0x2c4: {  	[tilespmem:s26+$0x1850] =	vst.add.f32.msk $0xffff, v4  }
0x2c5: {  	v4 =	vld [tilespmem:s28+$0x1860]  }
0x2c6: {  	[tilespmem:s30+$0x1850] =	vst.add.f32.msk $0xffff, v6  }
0x2c7: {  	v6 =	vld [tilespmem:s29+$0x1860]  }
0x2c8: {  	[tilespmem:s0+$0x1850] =	vst.add.f32.msk $0xffff, v5  }
0x2c9: {  	v5 =	vld [tilespmem:s2+$0x1860]  }
0x2ca: {  	[tilespmem:s26+$0x1860] =	vst.add.f32.msk $0xffff, v4  }
0x2cb: {  	v4 =	vld [tilespmem:s28+$0x1870]  }
0x2cc: {  	[tilespmem:s30+$0x1860] =	vst.add.f32.msk $0xffff, v6  }
0x2cd: {  	v6 =	vld [tilespmem:s29+$0x1870]  }
0x2ce: {  	[tilespmem:s0+$0x1860] =	vst.add.f32.msk $0xffff, v5  }
0x2cf: {  	v5 =	vld [tilespmem:s2+$0x1870]  }
0x2d0: {  	[tilespmem:s26+$0x1870] =	vst.add.f32.msk $0xffff, v4  }
0x2d1: {  	v4 =	vld [tilespmem:s28+$0x1C00]  }
0x2d2: {  	[tilespmem:s30+$0x1870] =	vst.add.f32.msk $0xffff, v6  }
0x2d3: {  	v6 =	vld [tilespmem:s29+$0x1C00]  }
0x2d4: {  	[tilespmem:s0+$0x1870] =	vst.add.f32.msk $0xffff, v5  }
0x2d5: {  	v5 =	vld [tilespmem:s2+$0x1C00]  }
0x2d6: {  	[tilespmem:s26+$0x1C00] =	vst.add.f32.msk $0xffff, v4  }
0x2d7: {  	v4 =	vld [tilespmem:s28+$0x1C10]  }
0x2d8: {  	[tilespmem:s30+$0x1C00] =	vst.add.f32.msk $0xffff, v6  }
0x2d9: {  	v6 =	vld [tilespmem:s29+$0x1C10]  }
0x2da: {  	[tilespmem:s0+$0x1C00] =	vst.add.f32.msk $0xffff, v5  }
0x2db: {  	v5 =	vld [tilespmem:s2+$0x1C10]  }
0x2dc: {  	[tilespmem:s26+$0x1C10] =	vst.add.f32.msk $0xffff, v4  }
0x2dd: {  	v4 =	vld [tilespmem:s28+$0x1C20]  }
0x2de: {  	[tilespmem:s30+$0x1C10] =	vst.add.f32.msk $0xffff, v6  }
0x2df: {  	v6 =	vld [tilespmem:s29+$0x1C20]  }
0x2e0: {  	[tilespmem:s0+$0x1C10] =	vst.add.f32.msk $0xffff, v5  }
0x2e1: {  	v5 =	vld [tilespmem:s2+$0x1C20]  }
0x2e2: {  	[tilespmem:s26+$0x1C20] =	vst.add.f32.msk $0xffff, v4  }
0x2e3: {  	v4 =	vld [tilespmem:s28+$0x1C30]  }
0x2e4: {  	[tilespmem:s30+$0x1C20] =	vst.add.f32.msk $0xffff, v6  }
0x2e5: {  	v6 =	vld [tilespmem:s29+$0x1C30]  }
0x2e6: {  	[tilespmem:s0+$0x1C20] =	vst.add.f32.msk $0xffff, v5  }
0x2e7: {  	v5 =	vld [tilespmem:s2+$0x1C30]  }
0x2e8: {  	[tilespmem:s26+$0x1C30] =	vst.add.f32.msk $0xffff, v4  }
0x2e9: {  	v4 =	vld [tilespmem:s28+$0x1C40]  }
0x2ea: {  	[tilespmem:s30+$0x1C30] =	vst.add.f32.msk $0xffff, v6  }
0x2eb: {  	v6 =	vld [tilespmem:s29+$0x1C40]  }
0x2ec: {  	[tilespmem:s0+$0x1C30] =	vst.add.f32.msk $0xffff, v5  }
0x2ed: {  	v5 =	vld [tilespmem:s2+$0x1C40]  }
0x2ee: {  	[tilespmem:s26+$0x1C40] =	vst.add.f32.msk $0xffff, v4  }
0x2ef: {  	v4 =	vld [tilespmem:s28+$0x1C50]  }
0x2f0: {  	[tilespmem:s30+$0x1C40] =	vst.add.f32.msk $0xffff, v6  }
0x2f1: {  	v6 =	vld [tilespmem:s29+$0x1C50]  }
0x2f2: {  	[tilespmem:s0+$0x1C40] =	vst.add.f32.msk $0xffff, v5  }
0x2f3: {  	v5 =	vld [tilespmem:s2+$0x1C50]  }
0x2f4: {  	[tilespmem:s26+$0x1C50] =	vst.add.f32.msk $0xffff, v4  }
0x2f5: {  	v4 =	vld [tilespmem:s28+$0x1C60]  }
0x2f6: {  	[tilespmem:s30+$0x1C50] =	vst.add.f32.msk $0xffff, v6  }
0x2f7: {  	v6 =	vld [tilespmem:s29+$0x1C60]  }
0x2f8: {  	[tilespmem:s0+$0x1C50] =	vst.add.f32.msk $0xffff, v5  }
0x2f9: {  	v5 =	vld [tilespmem:s2+$0x1C60]  }
0x2fa: {  	[tilespmem:s26+$0x1C60] =	vst.add.f32.msk $0xffff, v4  }
0x2fb: {  	v4 =	vld [tilespmem:s28+$0x1C70]  }
0x2fc: {  	[tilespmem:s30+$0x1C60] =	vst.add.f32.msk $0xffff, v6  }
0x2fd: {  	v6 =	vld [tilespmem:s29+$0x1C70]  }
0x2fe: {  	[tilespmem:s0+$0x1C60] =	vst.add.f32.msk $0xffff, v5  }
0x2ff: {  	s20 =	sadd.s32 $0x1, s20;
	v5 =	vld [tilespmem:s2+$0x1C70]  }
0x300: {  	p0 =	sne.s32 s20, $0x20  }
.Ltmp1:
0x301: {  	[tilespmem:s25+$0x1C70] =	vst.add.f32.msk $0xffff, v3;
	(pc) =	sbr.rel @p0 .LBB2_2-.Ltmp1, $4  }
0x302: {  	[tilespmem:s26+$0x1C70] =	vst.add.f32.msk $0xffff, v4;
	s29 =	sshll.u32 s22, $0xB  }
0x303: {  	[tilespmem:s30+$0x1C70] =	vst.add.f32.msk $0xffff, v6;
	s30 =	sshll.u32 s21, $0x13;
	s2 =	sadd.s32 s29, s12  }
0x304: {  	s31 =	sadd.s32 s30, s2;
	[tilespmem:s0+$0x1C70] =	vst.add.f32.msk $0xffff, v5  }
0x305: {  	[hbm4b:s31+s3] =	stream.linear.scatter [tilespmem:s24], [sflag:s23], $0x4000, $0x38;
	[tilespmem:$0x18200] =	vst v63  }
0x306: {  	s19 =	sadd.s32 $0x1, s19  }
0x307: {  	_ =	swait.ge [sflag:s16], $0x4000;
	p0 =	sne.s32 s19, s13  }
.Ltmp2:
0x308: {  	[sflag:s16] =	ssyncset.done $0x0;
	(pc) =	sbr.rel @p0 .LBB2_1-.Ltmp2, $4  }
0x309: {  	[sflag:s16] =	ssyncadd.s32 $0xFFFFC000  }
0x30a: {  	_ =	swait.ge [sflag:s18], $0x4000  }
0x30b: {  	[sflag:s18] =	ssyncset.done $0x0  }
0x30c: {  	[sflag:s18] =	ssyncadd.s32 $0xFFFFC000  }
0x30d: {  	_ =	sfence.sel $0x180000  }
0x30e: {  	[bflag:$0x0] =	sbarrier.arrive $0xFFFF  }
0x30f: {  	_ =	strace $0x90000047  }
0x310: {  	s0 =	stileid.u32;
	[bflag:$0x2] =	sbarrier.arrive $0xFFFF  }
0x311: {  	p0 =	sne.s32 s0, $0x0;
	s0 =	rddreg [dreg:$0x4]  }
0x312: {  	s0 =	sadd.s32 @!p0 $0x100000, s0  }
0x313: {  	[sflag:s0] =	ssyncadd.tile.s32 @!p0 $0x1;
	_ =	shalt  }
.Lfunc_end2:
_tile_overlayer_lowered:
.L_overlay_start_2:
0x314: {  	(tag) =	ssettag $0x2  }
0x315: {  	s0 =	rddreg [dreg:$0x0];
	s2 =	stileid.u32  }
0x316: {  	s1 =	rddreg [dreg:$0x1];
	p0 =	sne.s32 s2, $0x0  }
0x317: {  	s3 =	rddreg [dreg:$0x2];
	[bflag:$0x3] =	sbarrier.arrive $0xFFFF;
	s2 =	simm.s32 @!p0 $0x1C06  }
0x318: {  	[timem:s3], [sflag:s2] =	dma.local @!p0 [hbm:s0], s1  }
0x319: {  	s0 =	simm.s32 @!p0 $0x6  }
0x31a: {  	_ =	swait.ge @!p0 [sflag:s0], s1  }
0x31b: {  	s1 =	ssub.s32 @!p0 $0x0, s1;
	[sflag:s0] =	ssyncset.done @!p0 $0x0  }
0x31c: {  	[sflag:s0] =	ssyncadd.s32 @!p0 s1  }
0x31d: {  	[bflag:$0x3] =	sbarrier.arrive $0xFFFF  }
0x31e: {  	_ =	shalt  }

</sc_bundles>
